<compile_context>
chip_gen: v7x
topology: tpu7x:2x2x1
jax: 0.10.2.dev20260603
libtpu: 0.0.44.dev20260713+nightly
codegen_flags: <defaults>
</compile_context>

<pallas_src>
import functools

import jax
import jax.numpy as jnp
from jax import lax
from jax.experimental import pallas as pl
from jax.experimental.pallas import tpu as pltpu
from jax.experimental.pallas import tpu_sc as plsc

_NC = 2
_NS = 16
_NW = _NC * _NS
_L = 16


def _bitrev4(i: int) -> int:
    return ((i & 1) << 3) | ((i & 2) << 1) | ((i & 4) >> 1) | ((i & 8) >> 3)


_GATHER_DNUMS = lax.GatherDimensionNumbers(
    offset_dims=(), collapsed_slice_dims=(0,), start_index_map=(0,))


def _take(v, idx):
    return lax.gather(v, idx[:, None], _GATHER_DNUMS, slice_sizes=(1,),
                      mode=lax.GatherScatterMode.PROMISE_IN_BOUNDS)


def _make_sc_kernel(E: int, D: int, C: int):
    e_per_w = E // _NW
    n_chunks = e_per_w // C
    assert e_per_w * _NW == E and n_chunks * C == e_per_w
    assert C % _L == 0 and C <= 128 and D % _L == 0

    mesh = plsc.VectorSubcoreMesh(core_axis_name="c", subcore_axis_name="s")

    @functools.partial(
        pl.kernel,
        out_type=jax.ShapeDtypeStruct((E,), jnp.float32),
        mesh=mesh,
        scratch_types=[
            pltpu.VMEM((n_chunks, C), jnp.int32),
            pltpu.VMEM((n_chunks, C), jnp.int32),
            pltpu.VMEM((C, D), jnp.float32),
            pltpu.VMEM((C, D), jnp.float32),
            pltpu.VMEM((C, D), jnp.float32),
            pltpu.VMEM((C, D), jnp.float32),
            pltpu.VMEM((e_per_w,), jnp.float32),
            pltpu.VMEM((C, _L), jnp.float32),
            pltpu.SemaphoreType.DMA,
            pltpu.SemaphoreType.DMA,
        ],
    )
    def sc_kernel(title, label, heads, tails, out, hidx, tidx,
                  hrows0, hrows1, trows0, trows1, obuf, pbuf, sem0, sem1):
        wid = lax.axis_index("s") * _NC + lax.axis_index("c")
        hrows = (hrows0, hrows1)
        trows = (trows0, trows1)
        sems = (sem0, sem1)
        iota = lax.iota(jnp.int32, _L)
        perms = [iota ^ hw for hw in (8, 4, 2, 1)]
        masks = [(iota & hw) == 0 for hw in (8, 4, 2, 1)]

        pltpu.sync_copy(heads.at[wid], hidx)
        pltpu.sync_copy(tails.at[wid], tidx)

        def fire(cur, slot):
            pltpu.async_copy(title.at[hidx.at[cur]], hrows[slot], sems[slot])
            pltpu.async_copy(label.at[tidx.at[cur]], trows[slot], sems[slot])

        def drain(slot):
            pltpu.make_async_copy(title.at[hidx.at[0]], hrows[slot],
                                  sems[slot]).wait()
            pltpu.make_async_copy(label.at[tidx.at[0]], trows[slot],
                                  sems[slot]).wait()

        def compute(cur, slot):
            obase = cur * C

            def edge_body(e, ecarry):
                acc_a = (hrows[slot][e, pl.ds(0, _L)]
                         * trows[slot][e, pl.ds(0, _L)])
                acc_b = (hrows[slot][e, pl.ds(_L, _L)]
                         * trows[slot][e, pl.ds(_L, _L)])
                for g in range(2, D // _L, 2):
                    acc_a = acc_a + (hrows[slot][e, pl.ds(g * _L, _L)]
                                     * trows[slot][e, pl.ds(g * _L, _L)])
                    acc_b = acc_b + (hrows[slot][e, pl.ds((g + 1) * _L, _L)]
                                     * trows[slot][e, pl.ds((g + 1) * _L, _L)])
                pbuf[e, pl.ds(0, _L)] = acc_a + acc_b
                return ecarry

            lax.fori_loop(0, C, edge_body, 0, unroll=False)

            def group_body(j, gcarry):
                eb = j * _L
                stack = []
                for t in range(_L):
                    v, lvl = pbuf[eb + _bitrev4(t), pl.ds(0, _L)], 0
                    while stack and stack[-1][0] == lvl:
                        _, x = stack.pop()
                        y, perm, mask = v, perms[lvl], masks[lvl]
                        v = jnp.where(mask, x + _take(x, perm),
                                      y + _take(y, perm))
                        lvl += 1
                    stack.append((lvl, v))
                obuf[pl.ds(obase + eb, _L)] = stack[0][1]
                return gcarry

            lax.fori_loop(0, C // _L, group_body, 0, unroll=False)

        fire(0, 0)

        def pair_body(i, carry):
            for b in range(2):
                cur = 2 * i + b
                drain(b)

                @pl.when(cur + 1 < n_chunks)
                def _():
                    fire(cur + 1, 1 - b)

                compute(cur, b)
            return carry

        lax.fori_loop(0, n_chunks // 2, pair_body, 0, unroll=False)
        if n_chunks % 2:
            drain(0)
            compute(n_chunks - 1, 0)

        pltpu.sync_copy(obuf, out.at[pl.ds(wid * e_per_w, e_per_w)])

    return sc_kernel


def kernel(x_title, x_label, edge_label_index):
    E = edge_label_index.shape[1]
    D = x_title.shape[1]
    C = 80
    e_per_w = E // _NW
    idx = edge_label_index.astype(jnp.int32)
    heads = idx[0].reshape(_NW, e_per_w // C, C)
    tails = idx[1].reshape(_NW, e_per_w // C, C)
    sc = _make_sc_kernel(E, D, C)
    return sc(x_title, x_label, heads, tails)

# --- scband reference (transcript-rebuilt; emitter-appended) ---
"""Pipeline reference for scband-classifier-11141145166497 (READ-ONLY COPY).

The authoritative reference and input builder live on the scoring server;
editing this copy changes nothing except your own understanding.
"""

import jax, jax.numpy as jnp
import numpy as np


def setup_inputs(seed: int = 0) -> dict:
    key = jax.random.key(seed)
    k1, k2, k3 = jax.random.split(key, 3)
    x_title = jax.random.normal(k1, (10000, 128), dtype=jnp.float32)
    x_label = jax.random.normal(k2, (10000, 128), dtype=jnp.float32)
    edge_label_index = jax.random.randint(k3, (2, 320000), 0, 10000, dtype=jnp.int64)
    return {"x_title": x_title, "x_label": x_label, "edge_label_index": edge_label_index}


def reference(x_title, x_label, edge_label_index):
    edge_feat_head = jnp.take(x_title, edge_label_index[0], axis=0)
    edge_feat_tail = jnp.take(x_label, edge_label_index[1], axis=0)
    return (edge_feat_head * edge_feat_tail).sum(axis=-1)

if __name__ == "__main__":
    import jax
    _d = setup_inputs()
    print(jax.jit(kernel)(*tuple(_d.values())))

</pallas_src>

<mosaic_0001>
#map = affine_map<(d0, d1) -> (0, 0)>
#map1 = affine_map<(d0, d1) -> (0, 0, 0)>
#map2 = affine_map<(d0, d1) -> (0)>
module attributes {stable_mosaic.version = 14 : i64} {
  func.func @sc_kernel(%arg0: i32, %arg1: i32, %arg2: memref<10000x128xf32, #tpu.memory_space<hbm>>, %arg3: memref<10000x128xf32, #tpu.memory_space<hbm>>, %arg4: memref<32x125x80xi32, #tpu.memory_space<hbm>>, %arg5: memref<32x125x80xi32, #tpu.memory_space<hbm>>, %arg6: memref<320000xf32, #tpu.memory_space<hbm>>, %arg7: memref<125x80xi32, #tpu.memory_space<vmem>>, %arg8: memref<125x80xi32, #tpu.memory_space<vmem>>, %arg9: memref<80x128xf32, #tpu.memory_space<vmem>>, %arg10: memref<80x128xf32, #tpu.memory_space<vmem>>, %arg11: memref<80x128xf32, #tpu.memory_space<vmem>>, %arg12: memref<80x128xf32, #tpu.memory_space<vmem>>, %arg13: memref<10000xf32, #tpu.memory_space<vmem>>, %arg14: memref<80x16xf32, #tpu.memory_space<vmem>>, %arg15: memref<!tpu.dma_semaphore, #tpu.memory_space<semaphore_mem>>, %arg16: memref<!tpu.dma_semaphore, #tpu.memory_space<semaphore_mem>>) attributes {dimension_semantics = [#tpu.dimension_semantics<core_parallel>, #tpu.dimension_semantics<subcore_parallel>], iteration_bounds = array<i64: 2, 16>, scalar_prefetch = 0 : i64, scratch_operands = 10 : i64, tpu.core_type = #tpu.core_type<sc_vector_subcore>, window_params = [{transform_indices = #map}, {transform_indices = #map}, {transform_indices = #map1}, {transform_indices = #map1}, {transform_indices = #map2}]} {
    %mul3A = arith.constant 2 : i32
    %mul3A_0 = arith.muli %arg1, %mul3A : i32
    %add3A = arith.addi %mul3A_0, %arg0 : i32
    %iota3A = tpu.iota {dimensions = array<i32: 0>} : vector<16xi32>
    %xor3A = arith.constant 8 : i32
    %xor3A_1 = vector.broadcast %xor3A : i32 to vector<16xi32>
    %xor3A_2 = arith.xori %iota3A, %xor3A_1 : vector<16xi32>
    %xor3A_3 = arith.constant 4 : i32
    %xor3A_4 = vector.broadcast %xor3A_3 : i32 to vector<16xi32>
    %xor3A_5 = arith.xori %iota3A, %xor3A_4 : vector<16xi32>
    %xor3A_6 = arith.constant 2 : i32
    %xor3A_7 = vector.broadcast %xor3A_6 : i32 to vector<16xi32>
    %xor3A_8 = arith.xori %iota3A, %xor3A_7 : vector<16xi32>
    %xor3A_9 = arith.constant 1 : i32
    %xor3A_10 = vector.broadcast %xor3A_9 : i32 to vector<16xi32>
    %xor3A_11 = arith.xori %iota3A, %xor3A_10 : vector<16xi32>
    %and3A = arith.constant 8 : i32
    %and3A_12 = vector.broadcast %and3A : i32 to vector<16xi32>
    %and3A_13 = arith.andi %iota3A, %and3A_12 : vector<16xi32>
    %eq3A = arith.constant 0 : i32
    %eq3A_14 = vector.broadcast %eq3A : i32 to vector<16xi32>
    %eq3A_15 = arith.cmpi eq, %and3A_13, %eq3A_14 : vector<16xi32>
    %and3A_16 = arith.constant 4 : i32
    %and3A_17 = vector.broadcast %and3A_16 : i32 to vector<16xi32>
    %and3A_18 = arith.andi %iota3A, %and3A_17 : vector<16xi32>
    %eq3A_19 = arith.constant 0 : i32
    %eq3A_20 = vector.broadcast %eq3A_19 : i32 to vector<16xi32>
    %eq3A_21 = arith.cmpi eq, %and3A_18, %eq3A_20 : vector<16xi32>
    %and3A_22 = arith.constant 2 : i32
    %and3A_23 = vector.broadcast %and3A_22 : i32 to vector<16xi32>
    %and3A_24 = arith.andi %iota3A, %and3A_23 : vector<16xi32>
    %eq3A_25 = arith.constant 0 : i32
    %eq3A_26 = vector.broadcast %eq3A_25 : i32 to vector<16xi32>
    %eq3A_27 = arith.cmpi eq, %and3A_24, %eq3A_26 : vector<16xi32>
    %and3A_28 = arith.constant 1 : i32
    %and3A_29 = vector.broadcast %and3A_28 : i32 to vector<16xi32>
    %and3A_30 = arith.andi %iota3A, %and3A_29 : vector<16xi32>
    %eq3A_31 = arith.constant 0 : i32
    %eq3A_32 = vector.broadcast %eq3A_31 : i32 to vector<16xi32>
    %eq3A_33 = arith.cmpi eq, %and3A_30, %eq3A_32 : vector<16xi32>
    "tpu.region"() ({
      %run_scoped3A = tpu.sem_alloc : memref<!tpu.dma_semaphore, #tpu.memory_space<semaphore_mem>>
      %dma_start3A_79 = arith.constant 0 : i32
      %dma_start3A_80 = arith.constant 0 : i32
      %dma_start3A_81 = tpu.memref_slice %arg4[%add3A, %dma_start3A_79, %dma_start3A_80] : memref<32x125x80xi32, #tpu.memory_space<hbm>> -> memref<1x125x80xi32, #tpu.memory_space<hbm>>
      %dma_start3A_82 = tpu.memref_squeeze %dma_start3A_81 : memref<1x125x80xi32, #tpu.memory_space<hbm>> -> memref<125x80xi32, #tpu.memory_space<hbm>>
      %dma_start3A_83 = arith.constant 0 : i32
      %dma_start3A_84 = arith.constant 0 : i32
      %dma_start3A_85 = tpu.memref_slice %arg4[%add3A, %dma_start3A_83, %dma_start3A_84] : memref<32x125x80xi32, #tpu.memory_space<hbm>> -> memref<1x125x80xi32, #tpu.memory_space<hbm>>
      %dma_start3A_86 = tpu.memref_squeeze %dma_start3A_85 : memref<1x125x80xi32, #tpu.memory_space<hbm>> -> memref<125x80xi32, #tpu.memory_space<hbm>>
      tpu.enqueue_dma source(%dma_start3A_86 : memref<125x80xi32, #tpu.memory_space<hbm>>) target(%arg7 : memref<125x80xi32, #tpu.memory_space<vmem>>) target_semaphore(%run_scoped3A : memref<!tpu.dma_semaphore, #tpu.memory_space<semaphore_mem>>)
      %dma_wait3A_87 = arith.constant 0 : i32
      %dma_wait3A_88 = arith.constant 0 : i32
      %dma_wait3A_89 = tpu.memref_slice %arg4[%add3A, %dma_wait3A_87, %dma_wait3A_88] : memref<32x125x80xi32, #tpu.memory_space<hbm>> -> memref<1x125x80xi32, #tpu.memory_space<hbm>>
      %dma_wait3A_90 = tpu.memref_squeeze %dma_wait3A_89 : memref<1x125x80xi32, #tpu.memory_space<hbm>> -> memref<125x80xi32, #tpu.memory_space<hbm>>
      %dma_wait3A_91 = arith.constant 0 : i32
      %dma_wait3A_92 = arith.constant 0 : i32
      %dma_wait3A_93 = tpu.memref_slice %arg4[%add3A, %dma_wait3A_91, %dma_wait3A_92] : memref<32x125x80xi32, #tpu.memory_space<hbm>> -> memref<1x125x80xi32, #tpu.memory_space<hbm>>
      %dma_wait3A_94 = tpu.memref_squeeze %dma_wait3A_93 : memref<1x125x80xi32, #tpu.memory_space<hbm>> -> memref<125x80xi32, #tpu.memory_space<hbm>>
      tpu.wait_dma2 semaphore(%run_scoped3A : memref<!tpu.dma_semaphore, #tpu.memory_space<semaphore_mem>>) src(%dma_wait3A_94 : memref<125x80xi32, #tpu.memory_space<hbm>>) dst(%arg7 : memref<125x80xi32, #tpu.memory_space<vmem>>)
      tpu.yield
    }) : () -> ()
    "tpu.region"() ({
      %run_scoped3A = tpu.sem_alloc : memref<!tpu.dma_semaphore, #tpu.memory_space<semaphore_mem>>
      %dma_start3A_79 = arith.constant 0 : i32
      %dma_start3A_80 = arith.constant 0 : i32
      %dma_start3A_81 = tpu.memref_slice %arg5[%add3A, %dma_start3A_79, %dma_start3A_80] : memref<32x125x80xi32, #tpu.memory_space<hbm>> -> memref<1x125x80xi32, #tpu.memory_space<hbm>>
      %dma_start3A_82 = tpu.memref_squeeze %dma_start3A_81 : memref<1x125x80xi32, #tpu.memory_space<hbm>> -> memref<125x80xi32, #tpu.memory_space<hbm>>
      %dma_start3A_83 = arith.constant 0 : i32
      %dma_start3A_84 = arith.constant 0 : i32
      %dma_start3A_85 = tpu.memref_slice %arg5[%add3A, %dma_start3A_83, %dma_start3A_84] : memref<32x125x80xi32, #tpu.memory_space<hbm>> -> memref<1x125x80xi32, #tpu.memory_space<hbm>>
      %dma_start3A_86 = tpu.memref_squeeze %dma_start3A_85 : memref<1x125x80xi32, #tpu.memory_space<hbm>> -> memref<125x80xi32, #tpu.memory_space<hbm>>
      tpu.enqueue_dma source(%dma_start3A_86 : memref<125x80xi32, #tpu.memory_space<hbm>>) target(%arg8 : memref<125x80xi32, #tpu.memory_space<vmem>>) target_semaphore(%run_scoped3A : memref<!tpu.dma_semaphore, #tpu.memory_space<semaphore_mem>>)
      %dma_wait3A_87 = arith.constant 0 : i32
      %dma_wait3A_88 = arith.constant 0 : i32
      %dma_wait3A_89 = tpu.memref_slice %arg5[%add3A, %dma_wait3A_87, %dma_wait3A_88] : memref<32x125x80xi32, #tpu.memory_space<hbm>> -> memref<1x125x80xi32, #tpu.memory_space<hbm>>
      %dma_wait3A_90 = tpu.memref_squeeze %dma_wait3A_89 : memref<1x125x80xi32, #tpu.memory_space<hbm>> -> memref<125x80xi32, #tpu.memory_space<hbm>>
      %dma_wait3A_91 = arith.constant 0 : i32
      %dma_wait3A_92 = arith.constant 0 : i32
      %dma_wait3A_93 = tpu.memref_slice %arg5[%add3A, %dma_wait3A_91, %dma_wait3A_92] : memref<32x125x80xi32, #tpu.memory_space<hbm>> -> memref<1x125x80xi32, #tpu.memory_space<hbm>>
      %dma_wait3A_94 = tpu.memref_squeeze %dma_wait3A_93 : memref<1x125x80xi32, #tpu.memory_space<hbm>> -> memref<125x80xi32, #tpu.memory_space<hbm>>
      tpu.wait_dma2 semaphore(%run_scoped3A : memref<!tpu.dma_semaphore, #tpu.memory_space<semaphore_mem>>) src(%dma_wait3A_94 : memref<125x80xi32, #tpu.memory_space<hbm>>) dst(%arg8 : memref<125x80xi32, #tpu.memory_space<vmem>>)
      tpu.yield
    }) : () -> ()
    %dma_start3A = arith.constant 0 : i32
    %dma_start3A_34 = arith.constant 0 : i32
    %dma_start3A_35 = tpu.memref_slice %arg7[%dma_start3A, %dma_start3A_34] : memref<125x80xi32, #tpu.memory_space<vmem>> -> memref<1x80xi32, #tpu.memory_space<vmem>>
    %dma_start3A_36 = tpu.memref_squeeze %dma_start3A_35 : memref<1x80xi32, #tpu.memory_space<vmem>> -> memref<80xi32, #tpu.memory_space<vmem>>
    %dma_start3A_37 = arith.constant 0 : i32
    %dma_start3A_38 = arith.constant 0 : i32
    %dma_start3A_39 = tpu.memref_slice %arg2[%dma_start3A_37, %dma_start3A_38] : memref<10000x128xf32, #tpu.memory_space<hbm>> -> memref<10000x128xf32, #tpu.memory_space<hbm>>
    tpu.enqueue_indirect_dma source(%dma_start3A_39 : memref<10000x128xf32, #tpu.memory_space<hbm>>) target(%arg9 : memref<80x128xf32, #tpu.memory_space<vmem>>) offsets(%dma_start3A_36 : memref<80xi32, #tpu.memory_space<vmem>>) semaphore(%arg15 : memref<!tpu.dma_semaphore, #tpu.memory_space<semaphore_mem>>)
    %dma_start3A_40 = arith.constant 0 : i32
    %dma_start3A_41 = arith.constant 0 : i32
    %dma_start3A_42 = tpu.memref_slice %arg8[%dma_start3A_40, %dma_start3A_41] : memref<125x80xi32, #tpu.memory_space<vmem>> -> memref<1x80xi32, #tpu.memory_space<vmem>>
    %dma_start3A_43 = tpu.memref_squeeze %dma_start3A_42 : memref<1x80xi32, #tpu.memory_space<vmem>> -> memref<80xi32, #tpu.memory_space<vmem>>
    %dma_start3A_44 = arith.constant 0 : i32
    %dma_start3A_45 = arith.constant 0 : i32
    %dma_start3A_46 = tpu.memref_slice %arg3[%dma_start3A_44, %dma_start3A_45] : memref<10000x128xf32, #tpu.memory_space<hbm>> -> memref<10000x128xf32, #tpu.memory_space<hbm>>
    tpu.enqueue_indirect_dma source(%dma_start3A_46 : memref<10000x128xf32, #tpu.memory_space<hbm>>) target(%arg11 : memref<80x128xf32, #tpu.memory_space<vmem>>) offsets(%dma_start3A_43 : memref<80xi32, #tpu.memory_space<vmem>>) semaphore(%arg15 : memref<!tpu.dma_semaphore, #tpu.memory_space<semaphore_mem>>)
    %scan3A = arith.constant 0 : i32
    %scan3A_47 = arith.constant 0 : i32
    %scan3A_48 = arith.constant 62 : i32
    %scan3A_49 = arith.addi %scan3A_47, %scan3A_48 : i32
    %scan3A_50 = arith.constant 1 : i32
    scf.for %scan3A_79 = %scan3A_47 to %scan3A_49 step %scan3A_50  : i32 {
      %mul3A_80 = arith.constant 2 : i32
      %mul3A_81 = arith.muli %mul3A_80, %scan3A_79 : i32
      %add3A_82 = arith.constant 0 : i32
      %add3A_83 = arith.addi %mul3A_81, %add3A_82 : i32
      %dma_wait3A_84 = arith.constant 0 : i32
      %dma_wait3A_85 = arith.constant 0 : i32
      %dma_wait3A_86 = tpu.memref_slice %arg7[%dma_wait3A_84, %dma_wait3A_85] : memref<125x80xi32, #tpu.memory_space<vmem>> -> memref<1x80xi32, #tpu.memory_space<vmem>>
      %dma_wait3A_87 = tpu.memref_squeeze %dma_wait3A_86 : memref<1x80xi32, #tpu.memory_space<vmem>> -> memref<80xi32, #tpu.memory_space<vmem>>
      %dma_wait3A_88 = arith.constant 0 : i32
      %dma_wait3A_89 = arith.constant 0 : i32
      %dma_wait3A_90 = tpu.memref_slice %arg2[%dma_wait3A_88, %dma_wait3A_89] : memref<10000x128xf32, #tpu.memory_space<hbm>> -> memref<10000x128xf32, #tpu.memory_space<hbm>>
      tpu.wait_indirect_dma semaphore(%arg15 : memref<!tpu.dma_semaphore, #tpu.memory_space<semaphore_mem>>) src(%dma_wait3A_90 : memref<10000x128xf32, #tpu.memory_space<hbm>>) dst(%arg9 : memref<80x128xf32, #tpu.memory_space<vmem>>)
      %dma_wait3A_91 = arith.constant 0 : i32
      %dma_wait3A_92 = arith.constant 0 : i32
      %dma_wait3A_93 = tpu.memref_slice %arg8[%dma_wait3A_91, %dma_wait3A_92] : memref<125x80xi32, #tpu.memory_space<vmem>> -> memref<1x80xi32, #tpu.memory_space<vmem>>
      %dma_wait3A_94 = tpu.memref_squeeze %dma_wait3A_93 : memref<1x80xi32, #tpu.memory_space<vmem>> -> memref<80xi32, #tpu.memory_space<vmem>>
      %dma_wait3A_95 = arith.constant 0 : i32
      %dma_wait3A_96 = arith.constant 0 : i32
      %dma_wait3A_97 = tpu.memref_slice %arg3[%dma_wait3A_95, %dma_wait3A_96] : memref<10000x128xf32, #tpu.memory_space<hbm>> -> memref<10000x128xf32, #tpu.memory_space<hbm>>
      tpu.wait_indirect_dma semaphore(%arg15 : memref<!tpu.dma_semaphore, #tpu.memory_space<semaphore_mem>>) src(%dma_wait3A_97 : memref<10000x128xf32, #tpu.memory_space<hbm>>) dst(%arg11 : memref<80x128xf32, #tpu.memory_space<vmem>>)
      %add3A_98 = arith.constant 1 : i32
      %add3A_99 = arith.addi %add3A_83, %add3A_98 : i32
      %lt3A = arith.constant 125 : i32
      %lt3A_100 = arith.cmpi slt, %add3A_99, %lt3A : i32
      %convert_element_type3A = arith.extui %lt3A_100 : i1 to i32
      %cond3A = arith.constant 0 : i32
      %cond3A_101 = arith.cmpi ne, %convert_element_type3A, %cond3A : i32
      scf.if %cond3A_101 {
        %add3A_155 = arith.constant 1 : i32
        %add3A_156 = arith.addi %add3A_83, %add3A_155 : i32
        %dma_start3A_157 = arith.constant 0 : i32
        %dma_start3A_158 = tpu.memref_slice %arg7[%add3A_156, %dma_start3A_157] : memref<125x80xi32, #tpu.memory_space<vmem>> -> memref<1x80xi32, #tpu.memory_space<vmem>>
        %dma_start3A_159 = tpu.memref_squeeze %dma_start3A_158 : memref<1x80xi32, #tpu.memory_space<vmem>> -> memref<80xi32, #tpu.memory_space<vmem>>
        %dma_start3A_160 = arith.constant 0 : i32
        %dma_start3A_161 = arith.constant 0 : i32
        %dma_start3A_162 = tpu.memref_slice %arg2[%dma_start3A_160, %dma_start3A_161] : memref<10000x128xf32, #tpu.memory_space<hbm>> -> memref<10000x128xf32, #tpu.memory_space<hbm>>
        tpu.enqueue_indirect_dma source(%dma_start3A_162 : memref<10000x128xf32, #tpu.memory_space<hbm>>) target(%arg10 : memref<80x128xf32, #tpu.memory_space<vmem>>) offsets(%dma_start3A_159 : memref<80xi32, #tpu.memory_space<vmem>>) semaphore(%arg16 : memref<!tpu.dma_semaphore, #tpu.memory_space<semaphore_mem>>)
        %dma_start3A_163 = arith.constant 0 : i32
        %dma_start3A_164 = tpu.memref_slice %arg8[%add3A_156, %dma_start3A_163] : memref<125x80xi32, #tpu.memory_space<vmem>> -> memref<1x80xi32, #tpu.memory_space<vmem>>
        %dma_start3A_165 = tpu.memref_squeeze %dma_start3A_164 : memref<1x80xi32, #tpu.memory_space<vmem>> -> memref<80xi32, #tpu.memory_space<vmem>>
        %dma_start3A_166 = arith.constant 0 : i32
        %dma_start3A_167 = arith.constant 0 : i32
        %dma_start3A_168 = tpu.memref_slice %arg3[%dma_start3A_166, %dma_start3A_167] : memref<10000x128xf32, #tpu.memory_space<hbm>> -> memref<10000x128xf32, #tpu.memory_space<hbm>>
        tpu.enqueue_indirect_dma source(%dma_start3A_168 : memref<10000x128xf32, #tpu.memory_space<hbm>>) target(%arg12 : memref<80x128xf32, #tpu.memory_space<vmem>>) offsets(%dma_start3A_165 : memref<80xi32, #tpu.memory_space<vmem>>) semaphore(%arg16 : memref<!tpu.dma_semaphore, #tpu.memory_space<semaphore_mem>>)
      } else {
      }
      %mul3A_102 = arith.constant 80 : i32
      %mul3A_103 = arith.muli %add3A_83, %mul3A_102 : i32
      %scan3A_104 = arith.constant 0 : i32
      %scan3A_105 = arith.constant 0 : i32
      %scan3A_106 = arith.constant 80 : i32
      %scan3A_107 = arith.addi %scan3A_105, %scan3A_106 : i32
      %scan3A_108 = arith.constant 1 : i32
      scf.for %scan3A_155 = %scan3A_105 to %scan3A_107 step %scan3A_108  : i32 {
        %get3A = arith.index_cast %scan3A_155 : i32 to index
        %get3A_156 = arith.constant 0 : index
        %get3A_157 = tpu.vector_load %arg9[%get3A, %get3A_156] {strides = array<i32>} : memref<80x128xf32, #tpu.memory_space<vmem>>, vector<1x16xf32>,
        %get3A_158 = vector.shape_cast %get3A_157 : vector<1x16xf32> to vector<16xf32>
        %get3A_159 = arith.index_cast %scan3A_155 : i32 to index
        %get3A_160 = arith.constant 0 : index
        %get3A_161 = tpu.vector_load %arg11[%get3A_159, %get3A_160] {strides = array<i32>} : memref<80x128xf32, #tpu.memory_space<vmem>>, vector<1x16xf32>,
        %get3A_162 = vector.shape_cast %get3A_161 : vector<1x16xf32> to vector<16xf32>
        %mul3A_163 = arith.mulf %get3A_158, %get3A_162 : vector<16xf32>
        %get3A_164 = arith.index_cast %scan3A_155 : i32 to index
        %get3A_165 = arith.constant 16 : index
        %get3A_166 = tpu.vector_load %arg9[%get3A_164, %get3A_165] {strides = array<i32>} : memref<80x128xf32, #tpu.memory_space<vmem>>, vector<1x16xf32>,
        %get3A_167 = vector.shape_cast %get3A_166 : vector<1x16xf32> to vector<16xf32>
        %get3A_168 = arith.index_cast %scan3A_155 : i32 to index
        %get3A_169 = arith.constant 16 : index
        %get3A_170 = tpu.vector_load %arg11[%get3A_168, %get3A_169] {strides = array<i32>} : memref<80x128xf32, #tpu.memory_space<vmem>>, vector<1x16xf32>,
        %get3A_171 = vector.shape_cast %get3A_170 : vector<1x16xf32> to vector<16xf32>
        %mul3A_172 = arith.mulf %get3A_167, %get3A_171 : vector<16xf32>
        %get3A_173 = arith.index_cast %scan3A_155 : i32 to index
        %get3A_174 = arith.constant 32 : index
        %get3A_175 = tpu.vector_load %arg9[%get3A_173, %get3A_174] {strides = array<i32>} : memref<80x128xf32, #tpu.memory_space<vmem>>, vector<1x16xf32>,
        %get3A_176 = vector.shape_cast %get3A_175 : vector<1x16xf32> to vector<16xf32>
        %get3A_177 = arith.index_cast %scan3A_155 : i32 to index
        %get3A_178 = arith.constant 32 : index
        %get3A_179 = tpu.vector_load %arg11[%get3A_177, %get3A_178] {strides = array<i32>} : memref<80x128xf32, #tpu.memory_space<vmem>>, vector<1x16xf32>,
        %get3A_180 = vector.shape_cast %get3A_179 : vector<1x16xf32> to vector<16xf32>
        %mul3A_181 = arith.mulf %get3A_176, %get3A_180 : vector<16xf32>
        %add3A_182 = arith.addf %mul3A_163, %mul3A_181 : vector<16xf32>
        %get3A_183 = arith.index_cast %scan3A_155 : i32 to index
        %get3A_184 = arith.constant 48 : index
        %get3A_185 = tpu.vector_load %arg9[%get3A_183, %get3A_184] {strides = array<i32>} : memref<80x128xf32, #tpu.memory_space<vmem>>, vector<1x16xf32>,
        %get3A_186 = vector.shape_cast %get3A_185 : vector<1x16xf32> to vector<16xf32>
        %get3A_187 = arith.index_cast %scan3A_155 : i32 to index
        %get3A_188 = arith.constant 48 : index
        %get3A_189 = tpu.vector_load %arg11[%get3A_187, %get3A_188] {strides = array<i32>} : memref<80x128xf32, #tpu.memory_space<vmem>>, vector<1x16xf32>,
        %get3A_190 = vector.shape_cast %get3A_189 : vector<1x16xf32> to vector<16xf32>
        %mul3A_191 = arith.mulf %get3A_186, %get3A_190 : vector<16xf32>
        %add3A_192 = arith.addf %mul3A_172, %mul3A_191 : vector<16xf32>
        %get3A_193 = arith.index_cast %scan3A_155 : i32 to index
        %get3A_194 = arith.constant 64 : index
        %get3A_195 = tpu.vector_load %arg9[%get3A_193, %get3A_194] {strides = array<i32>} : memref<80x128xf32, #tpu.memory_space<vmem>>, vector<1x16xf32>,
        %get3A_196 = vector.shape_cast %get3A_195 : vector<1x16xf32> to vector<16xf32>
        %get3A_197 = arith.index_cast %scan3A_155 : i32 to index
        %get3A_198 = arith.constant 64 : index
        %get3A_199 = tpu.vector_load %arg11[%get3A_197, %get3A_198] {strides = array<i32>} : memref<80x128xf32, #tpu.memory_space<vmem>>, vector<1x16xf32>,
        %get3A_200 = vector.shape_cast %get3A_199 : vector<1x16xf32> to vector<16xf32>
        %mul3A_201 = arith.mulf %get3A_196, %get3A_200 : vector<16xf32>
        %add3A_202 = arith.addf %add3A_182, %mul3A_201 : vector<16xf32>
        %get3A_203 = arith.index_cast %scan3A_155 : i32 to index
        %get3A_204 = arith.constant 80 : index
        %get3A_205 = tpu.vector_load %arg9[%get3A_203, %get3A_204] {strides = array<i32>} : memref<80x128xf32, #tpu.memory_space<vmem>>, vector<1x16xf32>,
        %get3A_206 = vector.shape_cast %get3A_205 : vector<1x16xf32> to vector<16xf32>
        %get3A_207 = arith.index_cast %scan3A_155 : i32 to index
        %get3A_208 = arith.constant 80 : index
        %get3A_209 = tpu.vector_load %arg11[%get3A_207, %get3A_208] {strides = array<i32>} : memref<80x128xf32, #tpu.memory_space<vmem>>, vector<1x16xf32>,
        %get3A_210 = vector.shape_cast %get3A_209 : vector<1x16xf32> to vector<16xf32>
        %mul3A_211 = arith.mulf %get3A_206, %get3A_210 : vector<16xf32>
        %add3A_212 = arith.addf %add3A_192, %mul3A_211 : vector<16xf32>
        %get3A_213 = arith.index_cast %scan3A_155 : i32 to index
        %get3A_214 = arith.constant 96 : index
        %get3A_215 = tpu.vector_load %arg9[%get3A_213, %get3A_214] {strides = array<i32>} : memref<80x128xf32, #tpu.memory_space<vmem>>, vector<1x16xf32>,
        %get3A_216 = vector.shape_cast %get3A_215 : vector<1x16xf32> to vector<16xf32>
        %get3A_217 = arith.index_cast %scan3A_155 : i32 to index
        %get3A_218 = arith.constant 96 : index
        %get3A_219 = tpu.vector_load %arg11[%get3A_217, %get3A_218] {strides = array<i32>} : memref<80x128xf32, #tpu.memory_space<vmem>>, vector<1x16xf32>,
        %get3A_220 = vector.shape_cast %get3A_219 : vector<1x16xf32> to vector<16xf32>
        %mul3A_221 = arith.mulf %get3A_216, %get3A_220 : vector<16xf32>
        %add3A_222 = arith.addf %add3A_202, %mul3A_221 : vector<16xf32>
        %get3A_223 = arith.index_cast %scan3A_155 : i32 to index
        %get3A_224 = arith.constant 112 : index
        %get3A_225 = tpu.vector_load %arg9[%get3A_223, %get3A_224] {strides = array<i32>} : memref<80x128xf32, #tpu.memory_space<vmem>>, vector<1x16xf32>,
        %get3A_226 = vector.shape_cast %get3A_225 : vector<1x16xf32> to vector<16xf32>
        %get3A_227 = arith.index_cast %scan3A_155 : i32 to index
        %get3A_228 = arith.constant 112 : index
        %get3A_229 = tpu.vector_load %arg11[%get3A_227, %get3A_228] {strides = array<i32>} : memref<80x128xf32, #tpu.memory_space<vmem>>, vector<1x16xf32>,
        %get3A_230 = vector.shape_cast %get3A_229 : vector<1x16xf32> to vector<16xf32>
        %mul3A_231 = arith.mulf %get3A_226, %get3A_230 : vector<16xf32>
        %add3A_232 = arith.addf %add3A_212, %mul3A_231 : vector<16xf32>
        %add3A_233 = arith.addf %add3A_222, %add3A_232 : vector<16xf32>
        %swap3A = arith.index_cast %scan3A_155 : i32 to index
        %swap3A_234 = arith.constant 0 : index
        %swap3A_235 = tpu.vector_load %arg14[%swap3A, %swap3A_234] {strides = array<i32>} : memref<80x16xf32, #tpu.memory_space<vmem>>, vector<1x16xf32>,
        %swap3A_236 = vector.shape_cast %swap3A_235 : vector<1x16xf32> to vector<16xf32>
        %swap3A_237 = vector.shape_cast %add3A_233 : vector<16xf32> to vector<1x16xf32>
        tpu.vector_store %arg14[%swap3A, %swap3A_234], %swap3A_237 {strides = array<i32>} : memref<80x16xf32, #tpu.memory_space<vmem>>, vector<1x16xf32>,
      }
      %scan3A_109 = arith.constant 80 : i32
      %scan3A_110 = arith.constant 0 : i32
      %scan3A_111 = arith.constant 0 : i32
      %scan3A_112 = arith.constant 5 : i32
      %scan3A_113 = arith.addi %scan3A_111, %scan3A_112 : i32
      %scan3A_114 = arith.constant 1 : i32
      scf.for %scan3A_155 = %scan3A_111 to %scan3A_113 step %scan3A_114  : i32 {
        %mul3A_156 = arith.constant 16 : i32
        %mul3A_157 = arith.muli %scan3A_155, %mul3A_156 : i32
        %add3A_158 = arith.constant 0 : i32
        %add3A_159 = arith.addi %mul3A_157, %add3A_158 : i32
        %get3A = arith.index_cast %add3A_159 : i32 to index
        %get3A_160 = arith.constant 0 : index
        %get3A_161 = tpu.vector_load %arg14[%get3A, %get3A_160] {strides = array<i32>} : memref<80x16xf32, #tpu.memory_space<vmem>>, vector<1x16xf32>,
        %get3A_162 = vector.shape_cast %get3A_161 : vector<1x16xf32> to vector<16xf32>
        %add3A_163 = arith.constant 8 : i32
        %add3A_164 = arith.addi %mul3A_157, %add3A_163 : i32
        %get3A_165 = arith.index_cast %add3A_164 : i32 to index
        %get3A_166 = arith.constant 0 : index
        %get3A_167 = tpu.vector_load %arg14[%get3A_165, %get3A_166] {strides = array<i32>} : memref<80x16xf32, #tpu.memory_space<vmem>>, vector<1x16xf32>,
        %get3A_168 = vector.shape_cast %get3A_167 : vector<1x16xf32> to vector<16xf32>
        %broadcast_in_dim3A = vector.shape_cast %xor3A_2 : vector<16xi32> to vector<16x1xi32>
        %gather3A = vector.shape_cast %broadcast_in_dim3A : vector<16x1xi32> to vector<16xi32>
        %gather3A_169 = tpu.dynamic_gather %get3A_162[%gather3A] in [0] : vector<16xf32>, vector<16xi32> -> vector<16xf32>
        %add3A_170 = arith.addf %get3A_162, %gather3A_169 : vector<16xf32>
        %broadcast_in_dim3A_171 = vector.shape_cast %xor3A_2 : vector<16xi32> to vector<16x1xi32>
        %gather3A_172 = vector.shape_cast %broadcast_in_dim3A_171 : vector<16x1xi32> to vector<16xi32>
        %gather3A_173 = tpu.dynamic_gather %get3A_168[%gather3A_172] in [0] : vector<16xf32>, vector<16xi32> -> vector<16xf32>
        %add3A_174 = arith.addf %get3A_168, %gather3A_173 : vector<16xf32>
        %select_n3A = arith.select %eq3A_15, %add3A_170, %add3A_174 : vector<16xi1>, vector<16xf32>
        %add3A_175 = arith.constant 4 : i32
        %add3A_176 = arith.addi %mul3A_157, %add3A_175 : i32
        %get3A_177 = arith.index_cast %add3A_176 : i32 to index
        %get3A_178 = arith.constant 0 : index
        %get3A_179 = tpu.vector_load %arg14[%get3A_177, %get3A_178] {strides = array<i32>} : memref<80x16xf32, #tpu.memory_space<vmem>>, vector<1x16xf32>,
        %get3A_180 = vector.shape_cast %get3A_179 : vector<1x16xf32> to vector<16xf32>
        %add3A_181 = arith.constant 12 : i32
        %add3A_182 = arith.addi %mul3A_157, %add3A_181 : i32
        %get3A_183 = arith.index_cast %add3A_182 : i32 to index
        %get3A_184 = arith.constant 0 : index
        %get3A_185 = tpu.vector_load %arg14[%get3A_183, %get3A_184] {strides = array<i32>} : memref<80x16xf32, #tpu.memory_space<vmem>>, vector<1x16xf32>,
        %get3A_186 = vector.shape_cast %get3A_185 : vector<1x16xf32> to vector<16xf32>
        %broadcast_in_dim3A_187 = vector.shape_cast %xor3A_2 : vector<16xi32> to vector<16x1xi32>
        %gather3A_188 = vector.shape_cast %broadcast_in_dim3A_187 : vector<16x1xi32> to vector<16xi32>
        %gather3A_189 = tpu.dynamic_gather %get3A_180[%gather3A_188] in [0] : vector<16xf32>, vector<16xi32> -> vector<16xf32>
        %add3A_190 = arith.addf %get3A_180, %gather3A_189 : vector<16xf32>
        %broadcast_in_dim3A_191 = vector.shape_cast %xor3A_2 : vector<16xi32> to vector<16x1xi32>
        %gather3A_192 = vector.shape_cast %broadcast_in_dim3A_191 : vector<16x1xi32> to vector<16xi32>
        %gather3A_193 = tpu.dynamic_gather %get3A_186[%gather3A_192] in [0] : vector<16xf32>, vector<16xi32> -> vector<16xf32>
        %add3A_194 = arith.addf %get3A_186, %gather3A_193 : vector<16xf32>
        %select_n3A_195 = arith.select %eq3A_15, %add3A_190, %add3A_194 : vector<16xi1>, vector<16xf32>
        %broadcast_in_dim3A_196 = vector.shape_cast %xor3A_5 : vector<16xi32> to vector<16x1xi32>
        %gather3A_197 = vector.shape_cast %broadcast_in_dim3A_196 : vector<16x1xi32> to vector<16xi32>
        %gather3A_198 = tpu.dynamic_gather %select_n3A[%gather3A_197] in [0] : vector<16xf32>, vector<16xi32> -> vector<16xf32>
        %add3A_199 = arith.addf %select_n3A, %gather3A_198 : vector<16xf32>
        %broadcast_in_dim3A_200 = vector.shape_cast %xor3A_5 : vector<16xi32> to vector<16x1xi32>
        %gather3A_201 = vector.shape_cast %broadcast_in_dim3A_200 : vector<16x1xi32> to vector<16xi32>
        %gather3A_202 = tpu.dynamic_gather %select_n3A_195[%gather3A_201] in [0] : vector<16xf32>, vector<16xi32> -> vector<16xf32>
        %add3A_203 = arith.addf %select_n3A_195, %gather3A_202 : vector<16xf32>
        %select_n3A_204 = arith.select %eq3A_21, %add3A_199, %add3A_203 : vector<16xi1>, vector<16xf32>
        %add3A_205 = arith.constant 2 : i32
        %add3A_206 = arith.addi %mul3A_157, %add3A_205 : i32
        %get3A_207 = arith.index_cast %add3A_206 : i32 to index
        %get3A_208 = arith.constant 0 : index
        %get3A_209 = tpu.vector_load %arg14[%get3A_207, %get3A_208] {strides = array<i32>} : memref<80x16xf32, #tpu.memory_space<vmem>>, vector<1x16xf32>,
        %get3A_210 = vector.shape_cast %get3A_209 : vector<1x16xf32> to vector<16xf32>
        %add3A_211 = arith.constant 10 : i32
        %add3A_212 = arith.addi %mul3A_157, %add3A_211 : i32
        %get3A_213 = arith.index_cast %add3A_212 : i32 to index
        %get3A_214 = arith.constant 0 : index
        %get3A_215 = tpu.vector_load %arg14[%get3A_213, %get3A_214] {strides = array<i32>} : memref<80x16xf32, #tpu.memory_space<vmem>>, vector<1x16xf32>,
        %get3A_216 = vector.shape_cast %get3A_215 : vector<1x16xf32> to vector<16xf32>
        %broadcast_in_dim3A_217 = vector.shape_cast %xor3A_2 : vector<16xi32> to vector<16x1xi32>
        %gather3A_218 = vector.shape_cast %broadcast_in_dim3A_217 : vector<16x1xi32> to vector<16xi32>
        %gather3A_219 = tpu.dynamic_gather %get3A_210[%gather3A_218] in [0] : vector<16xf32>, vector<16xi32> -> vector<16xf32>
        %add3A_220 = arith.addf %get3A_210, %gather3A_219 : vector<16xf32>
        %broadcast_in_dim3A_221 = vector.shape_cast %xor3A_2 : vector<16xi32> to vector<16x1xi32>
        %gather3A_222 = vector.shape_cast %broadcast_in_dim3A_221 : vector<16x1xi32> to vector<16xi32>
        %gather3A_223 = tpu.dynamic_gather %get3A_216[%gather3A_222] in [0] : vector<16xf32>, vector<16xi32> -> vector<16xf32>
        %add3A_224 = arith.addf %get3A_216, %gather3A_223 : vector<16xf32>
        %select_n3A_225 = arith.select %eq3A_15, %add3A_220, %add3A_224 : vector<16xi1>, vector<16xf32>
        %add3A_226 = arith.constant 6 : i32
        %add3A_227 = arith.addi %mul3A_157, %add3A_226 : i32
        %get3A_228 = arith.index_cast %add3A_227 : i32 to index
        %get3A_229 = arith.constant 0 : index
        %get3A_230 = tpu.vector_load %arg14[%get3A_228, %get3A_229] {strides = array<i32>} : memref<80x16xf32, #tpu.memory_space<vmem>>, vector<1x16xf32>,
        %get3A_231 = vector.shape_cast %get3A_230 : vector<1x16xf32> to vector<16xf32>
        %add3A_232 = arith.constant 14 : i32
        %add3A_233 = arith.addi %mul3A_157, %add3A_232 : i32
        %get3A_234 = arith.index_cast %add3A_233 : i32 to index
        %get3A_235 = arith.constant 0 : index
        %get3A_236 = tpu.vector_load %arg14[%get3A_234, %get3A_235] {strides = array<i32>} : memref<80x16xf32, #tpu.memory_space<vmem>>, vector<1x16xf32>,
        %get3A_237 = vector.shape_cast %get3A_236 : vector<1x16xf32> to vector<16xf32>
        %broadcast_in_dim3A_238 = vector.shape_cast %xor3A_2 : vector<16xi32> to vector<16x1xi32>
        %gather3A_239 = vector.shape_cast %broadcast_in_dim3A_238 : vector<16x1xi32> to vector<16xi32>
        %gather3A_240 = tpu.dynamic_gather %get3A_231[%gather3A_239] in [0] : vector<16xf32>, vector<16xi32> -> vector<16xf32>
        %add3A_241 = arith.addf %get3A_231, %gather3A_240 : vector<16xf32>
        %broadcast_in_dim3A_242 = vector.shape_cast %xor3A_2 : vector<16xi32> to vector<16x1xi32>
        %gather3A_243 = vector.shape_cast %broadcast_in_dim3A_242 : vector<16x1xi32> to vector<16xi32>
        %gather3A_244 = tpu.dynamic_gather %get3A_237[%gather3A_243] in [0] : vector<16xf32>, vector<16xi32> -> vector<16xf32>
        %add3A_245 = arith.addf %get3A_237, %gather3A_244 : vector<16xf32>
        %select_n3A_246 = arith.select %eq3A_15, %add3A_241, %add3A_245 : vector<16xi1>, vector<16xf32>
        %broadcast_in_dim3A_247 = vector.shape_cast %xor3A_5 : vector<16xi32> to vector<16x1xi32>
        %gather3A_248 = vector.shape_cast %broadcast_in_dim3A_247 : vector<16x1xi32> to vector<16xi32>
        %gather3A_249 = tpu.dynamic_gather %select_n3A_225[%gather3A_248] in [0] : vector<16xf32>, vector<16xi32> -> vector<16xf32>
        %add3A_250 = arith.addf %select_n3A_225, %gather3A_249 : vector<16xf32>
        %broadcast_in_dim3A_251 = vector.shape_cast %xor3A_5 : vector<16xi32> to vector<16x1xi32>
        %gather3A_252 = vector.shape_cast %broadcast_in_dim3A_251 : vector<16x1xi32> to vector<16xi32>
        %gather3A_253 = tpu.dynamic_gather %select_n3A_246[%gather3A_252] in [0] : vector<16xf32>, vector<16xi32> -> vector<16xf32>
        %add3A_254 = arith.addf %select_n3A_246, %gather3A_253 : vector<16xf32>
        %select_n3A_255 = arith.select %eq3A_21, %add3A_250, %add3A_254 : vector<16xi1>, vector<16xf32>
        %broadcast_in_dim3A_256 = vector.shape_cast %xor3A_8 : vector<16xi32> to vector<16x1xi32>
        %gather3A_257 = vector.shape_cast %broadcast_in_dim3A_256 : vector<16x1xi32> to vector<16xi32>
        %gather3A_258 = tpu.dynamic_gather %select_n3A_204[%gather3A_257] in [0] : vector<16xf32>, vector<16xi32> -> vector<16xf32>
        %add3A_259 = arith.addf %select_n3A_204, %gather3A_258 : vector<16xf32>
        %broadcast_in_dim3A_260 = vector.shape_cast %xor3A_8 : vector<16xi32> to vector<16x1xi32>
        %gather3A_261 = vector.shape_cast %broadcast_in_dim3A_260 : vector<16x1xi32> to vector<16xi32>
        %gather3A_262 = tpu.dynamic_gather %select_n3A_255[%gather3A_261] in [0] : vector<16xf32>, vector<16xi32> -> vector<16xf32>
        %add3A_263 = arith.addf %select_n3A_255, %gather3A_262 : vector<16xf32>
        %select_n3A_264 = arith.select %eq3A_27, %add3A_259, %add3A_263 : vector<16xi1>, vector<16xf32>
        %add3A_265 = arith.constant 1 : i32
        %add3A_266 = arith.addi %mul3A_157, %add3A_265 : i32
        %get3A_267 = arith.index_cast %add3A_266 : i32 to index
        %get3A_268 = arith.constant 0 : index
        %get3A_269 = tpu.vector_load %arg14[%get3A_267, %get3A_268] {strides = array<i32>} : memref<80x16xf32, #tpu.memory_space<vmem>>, vector<1x16xf32>,
        %get3A_270 = vector.shape_cast %get3A_269 : vector<1x16xf32> to vector<16xf32>
        %add3A_271 = arith.constant 9 : i32
        %add3A_272 = arith.addi %mul3A_157, %add3A_271 : i32
        %get3A_273 = arith.index_cast %add3A_272 : i32 to index
        %get3A_274 = arith.constant 0 : index
        %get3A_275 = tpu.vector_load %arg14[%get3A_273, %get3A_274] {strides = array<i32>} : memref<80x16xf32, #tpu.memory_space<vmem>>, vector<1x16xf32>,
        %get3A_276 = vector.shape_cast %get3A_275 : vector<1x16xf32> to vector<16xf32>
        %broadcast_in_dim3A_277 = vector.shape_cast %xor3A_2 : vector<16xi32> to vector<16x1xi32>
        %gather3A_278 = vector.shape_cast %broadcast_in_dim3A_277 : vector<16x1xi32> to vector<16xi32>
        %gather3A_279 = tpu.dynamic_gather %get3A_270[%gather3A_278] in [0] : vector<16xf32>, vector<16xi32> -> vector<16xf32>
        %add3A_280 = arith.addf %get3A_270, %gather3A_279 : vector<16xf32>
        %broadcast_in_dim3A_281 = vector.shape_cast %xor3A_2 : vector<16xi32> to vector<16x1xi32>
        %gather3A_282 = vector.shape_cast %broadcast_in_dim3A_281 : vector<16x1xi32> to vector<16xi32>
        %gather3A_283 = tpu.dynamic_gather %get3A_276[%gather3A_282] in [0] : vector<16xf32>, vector<16xi32> -> vector<16xf32>
        %add3A_284 = arith.addf %get3A_276, %gather3A_283 : vector<16xf32>
        %select_n3A_285 = arith.select %eq3A_15, %add3A_280, %add3A_284 : vector<16xi1>, vector<16xf32>
        %add3A_286 = arith.constant 5 : i32
        %add3A_287 = arith.addi %mul3A_157, %add3A_286 : i32
        %get3A_288 = arith.index_cast %add3A_287 : i32 to index
        %get3A_289 = arith.constant 0 : index
        %get3A_290 = tpu.vector_load %arg14[%get3A_288, %get3A_289] {strides = array<i32>} : memref<80x16xf32, #tpu.memory_space<vmem>>, vector<1x16xf32>,
        %get3A_291 = vector.shape_cast %get3A_290 : vector<1x16xf32> to vector<16xf32>
        %add3A_292 = arith.constant 13 : i32
        %add3A_293 = arith.addi %mul3A_157, %add3A_292 : i32
        %get3A_294 = arith.index_cast %add3A_293 : i32 to index
        %get3A_295 = arith.constant 0 : index
        %get3A_296 = tpu.vector_load %arg14[%get3A_294, %get3A_295] {strides = array<i32>} : memref<80x16xf32, #tpu.memory_space<vmem>>, vector<1x16xf32>,
        %get3A_297 = vector.shape_cast %get3A_296 : vector<1x16xf32> to vector<16xf32>
        %broadcast_in_dim3A_298 = vector.shape_cast %xor3A_2 : vector<16xi32> to vector<16x1xi32>
        %gather3A_299 = vector.shape_cast %broadcast_in_dim3A_298 : vector<16x1xi32> to vector<16xi32>
        %gather3A_300 = tpu.dynamic_gather %get3A_291[%gather3A_299] in [0] : vector<16xf32>, vector<16xi32> -> vector<16xf32>
        %add3A_301 = arith.addf %get3A_291, %gather3A_300 : vector<16xf32>
        %broadcast_in_dim3A_302 = vector.shape_cast %xor3A_2 : vector<16xi32> to vector<16x1xi32>
        %gather3A_303 = vector.shape_cast %broadcast_in_dim3A_302 : vector<16x1xi32> to vector<16xi32>
        %gather3A_304 = tpu.dynamic_gather %get3A_297[%gather3A_303] in [0] : vector<16xf32>, vector<16xi32> -> vector<16xf32>
        %add3A_305 = arith.addf %get3A_297, %gather3A_304 : vector<16xf32>
        %select_n3A_306 = arith.select %eq3A_15, %add3A_301, %add3A_305 : vector<16xi1>, vector<16xf32>
        %broadcast_in_dim3A_307 = vector.shape_cast %xor3A_5 : vector<16xi32> to vector<16x1xi32>
        %gather3A_308 = vector.shape_cast %broadcast_in_dim3A_307 : vector<16x1xi32> to vector<16xi32>
        %gather3A_309 = tpu.dynamic_gather %select_n3A_285[%gather3A_308] in [0] : vector<16xf32>, vector<16xi32> -> vector<16xf32>
        %add3A_310 = arith.addf %select_n3A_285, %gather3A_309 : vector<16xf32>
        %broadcast_in_dim3A_311 = vector.shape_cast %xor3A_5 : vector<16xi32> to vector<16x1xi32>
        %gather3A_312 = vector.shape_cast %broadcast_in_dim3A_311 : vector<16x1xi32> to vector<16xi32>
        %gather3A_313 = tpu.dynamic_gather %select_n3A_306[%gather3A_312] in [0] : vector<16xf32>, vector<16xi32> -> vector<16xf32>
        %add3A_314 = arith.addf %select_n3A_306, %gather3A_313 : vector<16xf32>
        %select_n3A_315 = arith.select %eq3A_21, %add3A_310, %add3A_314 : vector<16xi1>, vector<16xf32>
        %add3A_316 = arith.constant 3 : i32
        %add3A_317 = arith.addi %mul3A_157, %add3A_316 : i32
        %get3A_318 = arith.index_cast %add3A_317 : i32 to index
        %get3A_319 = arith.constant 0 : index
        %get3A_320 = tpu.vector_load %arg14[%get3A_318, %get3A_319] {strides = array<i32>} : memref<80x16xf32, #tpu.memory_space<vmem>>, vector<1x16xf32>,
        %get3A_321 = vector.shape_cast %get3A_320 : vector<1x16xf32> to vector<16xf32>
        %add3A_322 = arith.constant 11 : i32
        %add3A_323 = arith.addi %mul3A_157, %add3A_322 : i32
        %get3A_324 = arith.index_cast %add3A_323 : i32 to index
        %get3A_325 = arith.constant 0 : index
        %get3A_326 = tpu.vector_load %arg14[%get3A_324, %get3A_325] {strides = array<i32>} : memref<80x16xf32, #tpu.memory_space<vmem>>, vector<1x16xf32>,
        %get3A_327 = vector.shape_cast %get3A_326 : vector<1x16xf32> to vector<16xf32>
        %broadcast_in_dim3A_328 = vector.shape_cast %xor3A_2 : vector<16xi32> to vector<16x1xi32>
        %gather3A_329 = vector.shape_cast %broadcast_in_dim3A_328 : vector<16x1xi32> to vector<16xi32>
        %gather3A_330 = tpu.dynamic_gather %get3A_321[%gather3A_329] in [0] : vector<16xf32>, vector<16xi32> -> vector<16xf32>
        %add3A_331 = arith.addf %get3A_321, %gather3A_330 : vector<16xf32>
        %broadcast_in_dim3A_332 = vector.shape_cast %xor3A_2 : vector<16xi32> to vector<16x1xi32>
        %gather3A_333 = vector.shape_cast %broadcast_in_dim3A_332 : vector<16x1xi32> to vector<16xi32>
        %gather3A_334 = tpu.dynamic_gather %get3A_327[%gather3A_333] in [0] : vector<16xf32>, vector<16xi32> -> vector<16xf32>
        %add3A_335 = arith.addf %get3A_327, %gather3A_334 : vector<16xf32>
        %select_n3A_336 = arith.select %eq3A_15, %add3A_331, %add3A_335 : vector<16xi1>, vector<16xf32>
        %add3A_337 = arith.constant 7 : i32
        %add3A_338 = arith.addi %mul3A_157, %add3A_337 : i32
        %get3A_339 = arith.index_cast %add3A_338 : i32 to index
        %get3A_340 = arith.constant 0 : index
        %get3A_341 = tpu.vector_load %arg14[%get3A_339, %get3A_340] {strides = array<i32>} : memref<80x16xf32, #tpu.memory_space<vmem>>, vector<1x16xf32>,
        %get3A_342 = vector.shape_cast %get3A_341 : vector<1x16xf32> to vector<16xf32>
        %add3A_343 = arith.constant 15 : i32
        %add3A_344 = arith.addi %mul3A_157, %add3A_343 : i32
        %get3A_345 = arith.index_cast %add3A_344 : i32 to index
        %get3A_346 = arith.constant 0 : index
        %get3A_347 = tpu.vector_load %arg14[%get3A_345, %get3A_346] {strides = array<i32>} : memref<80x16xf32, #tpu.memory_space<vmem>>, vector<1x16xf32>,
        %get3A_348 = vector.shape_cast %get3A_347 : vector<1x16xf32> to vector<16xf32>
        %broadcast_in_dim3A_349 = vector.shape_cast %xor3A_2 : vector<16xi32> to vector<16x1xi32>
        %gather3A_350 = vector.shape_cast %broadcast_in_dim3A_349 : vector<16x1xi32> to vector<16xi32>
        %gather3A_351 = tpu.dynamic_gather %get3A_342[%gather3A_350] in [0] : vector<16xf32>, vector<16xi32> -> vector<16xf32>
        %add3A_352 = arith.addf %get3A_342, %gather3A_351 : vector<16xf32>
        %broadcast_in_dim3A_353 = vector.shape_cast %xor3A_2 : vector<16xi32> to vector<16x1xi32>
        %gather3A_354 = vector.shape_cast %broadcast_in_dim3A_353 : vector<16x1xi32> to vector<16xi32>
        %gather3A_355 = tpu.dynamic_gather %get3A_348[%gather3A_354] in [0] : vector<16xf32>, vector<16xi32> -> vector<16xf32>
        %add3A_356 = arith.addf %get3A_348, %gather3A_355 : vector<16xf32>
        %select_n3A_357 = arith.select %eq3A_15, %add3A_352, %add3A_356 : vector<16xi1>, vector<16xf32>
        %broadcast_in_dim3A_358 = vector.shape_cast %xor3A_5 : vector<16xi32> to vector<16x1xi32>
        %gather3A_359 = vector.shape_cast %broadcast_in_dim3A_358 : vector<16x1xi32> to vector<16xi32>
        %gather3A_360 = tpu.dynamic_gather %select_n3A_336[%gather3A_359] in [0] : vector<16xf32>, vector<16xi32> -> vector<16xf32>
        %add3A_361 = arith.addf %select_n3A_336, %gather3A_360 : vector<16xf32>
        %broadcast_in_dim3A_362 = vector.shape_cast %xor3A_5 : vector<16xi32> to vector<16x1xi32>
        %gather3A_363 = vector.shape_cast %broadcast_in_dim3A_362 : vector<16x1xi32> to vector<16xi32>
        %gather3A_364 = tpu.dynamic_gather %select_n3A_357[%gather3A_363] in [0] : vector<16xf32>, vector<16xi32> -> vector<16xf32>
        %add3A_365 = arith.addf %select_n3A_357, %gather3A_364 : vector<16xf32>
        %select_n3A_366 = arith.select %eq3A_21, %add3A_361, %add3A_365 : vector<16xi1>, vector<16xf32>
        %broadcast_in_dim3A_367 = vector.shape_cast %xor3A_8 : vector<16xi32> to vector<16x1xi32>
        %gather3A_368 = vector.shape_cast %broadcast_in_dim3A_367 : vector<16x1xi32> to vector<16xi32>
        %gather3A_369 = tpu.dynamic_gather %select_n3A_315[%gather3A_368] in [0] : vector<16xf32>, vector<16xi32> -> vector<16xf32>
        %add3A_370 = arith.addf %select_n3A_315, %gather3A_369 : vector<16xf32>
        %broadcast_in_dim3A_371 = vector.shape_cast %xor3A_8 : vector<16xi32> to vector<16x1xi32>
        %gather3A_372 = vector.shape_cast %broadcast_in_dim3A_371 : vector<16x1xi32> to vector<16xi32>
        %gather3A_373 = tpu.dynamic_gather %select_n3A_366[%gather3A_372] in [0] : vector<16xf32>, vector<16xi32> -> vector<16xf32>
        %add3A_374 = arith.addf %select_n3A_366, %gather3A_373 : vector<16xf32>
        %select_n3A_375 = arith.select %eq3A_27, %add3A_370, %add3A_374 : vector<16xi1>, vector<16xf32>
        %broadcast_in_dim3A_376 = vector.shape_cast %xor3A_11 : vector<16xi32> to vector<16x1xi32>
        %gather3A_377 = vector.shape_cast %broadcast_in_dim3A_376 : vector<16x1xi32> to vector<16xi32>
        %gather3A_378 = tpu.dynamic_gather %select_n3A_264[%gather3A_377] in [0] : vector<16xf32>, vector<16xi32> -> vector<16xf32>
        %add3A_379 = arith.addf %select_n3A_264, %gather3A_378 : vector<16xf32>
        %broadcast_in_dim3A_380 = vector.shape_cast %xor3A_11 : vector<16xi32> to vector<16x1xi32>
        %gather3A_381 = vector.shape_cast %broadcast_in_dim3A_380 : vector<16x1xi32> to vector<16xi32>
        %gather3A_382 = tpu.dynamic_gather %select_n3A_375[%gather3A_381] in [0] : vector<16xf32>, vector<16xi32> -> vector<16xf32>
        %add3A_383 = arith.addf %select_n3A_375, %gather3A_382 : vector<16xf32>
        %select_n3A_384 = arith.select %eq3A_33, %add3A_379, %add3A_383 : vector<16xi1>, vector<16xf32>
        %add3A_385 = arith.addi %mul3A_103, %mul3A_157 : i32
        %swap3A = arith.index_cast %add3A_385 : i32 to index
        %swap3A_386 = tpu.vector_load %arg13[%swap3A] {strides = array<i32>} : memref<10000xf32, #tpu.memory_space<vmem>>, vector<16xf32>,
        %swap3A_387 = vector.shape_cast %swap3A_386 : vector<16xf32> to vector<16xf32>
        %swap3A_388 = vector.shape_cast %select_n3A_384 : vector<16xf32> to vector<16xf32>
        tpu.vector_store %arg13[%swap3A], %swap3A_388 {strides = array<i32>} : memref<10000xf32, #tpu.memory_space<vmem>>, vector<16xf32>,
      }
      %scan3A_115 = arith.constant 5 : i32
      %mul3A_116 = arith.constant 2 : i32
      %mul3A_117 = arith.muli %mul3A_116, %scan3A_79 : i32
      %add3A_118 = arith.constant 1 : i32
      %add3A_119 = arith.addi %mul3A_117, %add3A_118 : i32
      %dma_wait3A_120 = arith.constant 0 : i32
      %dma_wait3A_121 = arith.constant 0 : i32
      %dma_wait3A_122 = tpu.memref_slice %arg7[%dma_wait3A_120, %dma_wait3A_121] : memref<125x80xi32, #tpu.memory_space<vmem>> -> memref<1x80xi32, #tpu.memory_space<vmem>>
      %dma_wait3A_123 = tpu.memref_squeeze %dma_wait3A_122 : memref<1x80xi32, #tpu.memory_space<vmem>> -> memref<80xi32, #tpu.memory_space<vmem>>
      %dma_wait3A_124 = arith.constant 0 : i32
      %dma_wait3A_125 = arith.constant 0 : i32
      %dma_wait3A_126 = tpu.memref_slice %arg2[%dma_wait3A_124, %dma_wait3A_125] : memref<10000x128xf32, #tpu.memory_space<hbm>> -> memref<10000x128xf32, #tpu.memory_space<hbm>>
      tpu.wait_indirect_dma semaphore(%arg16 : memref<!tpu.dma_semaphore, #tpu.memory_space<semaphore_mem>>) src(%dma_wait3A_126 : memref<10000x128xf32, #tpu.memory_space<hbm>>) dst(%arg10 : memref<80x128xf32, #tpu.memory_space<vmem>>)
      %dma_wait3A_127 = arith.constant 0 : i32
      %dma_wait3A_128 = arith.constant 0 : i32
      %dma_wait3A_129 = tpu.memref_slice %arg8[%dma_wait3A_127, %dma_wait3A_128] : memref<125x80xi32, #tpu.memory_space<vmem>> -> memref<1x80xi32, #tpu.memory_space<vmem>>
      %dma_wait3A_130 = tpu.memref_squeeze %dma_wait3A_129 : memref<1x80xi32, #tpu.memory_space<vmem>> -> memref<80xi32, #tpu.memory_space<vmem>>
      %dma_wait3A_131 = arith.constant 0 : i32
      %dma_wait3A_132 = arith.constant 0 : i32
      %dma_wait3A_133 = tpu.memref_slice %arg3[%dma_wait3A_131, %dma_wait3A_132] : memref<10000x128xf32, #tpu.memory_space<hbm>> -> memref<10000x128xf32, #tpu.memory_space<hbm>>
      tpu.wait_indirect_dma semaphore(%arg16 : memref<!tpu.dma_semaphore, #tpu.memory_space<semaphore_mem>>) src(%dma_wait3A_133 : memref<10000x128xf32, #tpu.memory_space<hbm>>) dst(%arg12 : memref<80x128xf32, #tpu.memory_space<vmem>>)
      %add3A_134 = arith.constant 1 : i32
      %add3A_135 = arith.addi %add3A_119, %add3A_134 : i32
      %lt3A_136 = arith.constant 125 : i32
      %lt3A_137 = arith.cmpi slt, %add3A_135, %lt3A_136 : i32
      %convert_element_type3A_138 = arith.extui %lt3A_137 : i1 to i32
      %cond3A_139 = arith.constant 0 : i32
      %cond3A_140 = arith.cmpi ne, %convert_element_type3A_138, %cond3A_139 : i32
      scf.if %cond3A_140 {
        %add3A_155 = arith.constant 1 : i32
        %add3A_156 = arith.addi %add3A_119, %add3A_155 : i32
        %dma_start3A_157 = arith.constant 0 : i32
        %dma_start3A_158 = tpu.memref_slice %arg7[%add3A_156, %dma_start3A_157] : memref<125x80xi32, #tpu.memory_space<vmem>> -> memref<1x80xi32, #tpu.memory_space<vmem>>
        %dma_start3A_159 = tpu.memref_squeeze %dma_start3A_158 : memref<1x80xi32, #tpu.memory_space<vmem>> -> memref<80xi32, #tpu.memory_space<vmem>>
        %dma_start3A_160 = arith.constant 0 : i32
        %dma_start3A_161 = arith.constant 0 : i32
        %dma_start3A_162 = tpu.memref_slice %arg2[%dma_start3A_160, %dma_start3A_161] : memref<10000x128xf32, #tpu.memory_space<hbm>> -> memref<10000x128xf32, #tpu.memory_space<hbm>>
        tpu.enqueue_indirect_dma source(%dma_start3A_162 : memref<10000x128xf32, #tpu.memory_space<hbm>>) target(%arg9 : memref<80x128xf32, #tpu.memory_space<vmem>>) offsets(%dma_start3A_159 : memref<80xi32, #tpu.memory_space<vmem>>) semaphore(%arg15 : memref<!tpu.dma_semaphore, #tpu.memory_space<semaphore_mem>>)
        %dma_start3A_163 = arith.constant 0 : i32
        %dma_start3A_164 = tpu.memref_slice %arg8[%add3A_156, %dma_start3A_163] : memref<125x80xi32, #tpu.memory_space<vmem>> -> memref<1x80xi32, #tpu.memory_space<vmem>>
        %dma_start3A_165 = tpu.memref_squeeze %dma_start3A_164 : memref<1x80xi32, #tpu.memory_space<vmem>> -> memref<80xi32, #tpu.memory_space<vmem>>
        %dma_start3A_166 = arith.constant 0 : i32
        %dma_start3A_167 = arith.constant 0 : i32
        %dma_start3A_168 = tpu.memref_slice %arg3[%dma_start3A_166, %dma_start3A_167] : memref<10000x128xf32, #tpu.memory_space<hbm>> -> memref<10000x128xf32, #tpu.memory_space<hbm>>
        tpu.enqueue_indirect_dma source(%dma_start3A_168 : memref<10000x128xf32, #tpu.memory_space<hbm>>) target(%arg11 : memref<80x128xf32, #tpu.memory_space<vmem>>) offsets(%dma_start3A_165 : memref<80xi32, #tpu.memory_space<vmem>>) semaphore(%arg15 : memref<!tpu.dma_semaphore, #tpu.memory_space<semaphore_mem>>)
      } else {
      }
      %mul3A_141 = arith.constant 80 : i32
      %mul3A_142 = arith.muli %add3A_119, %mul3A_141 : i32
      %scan3A_143 = arith.constant 0 : i32
      %scan3A_144 = arith.constant 0 : i32
      %scan3A_145 = arith.constant 80 : i32
      %scan3A_146 = arith.addi %scan3A_144, %scan3A_145 : i32
      %scan3A_147 = arith.constant 1 : i32
      scf.for %scan3A_155 = %scan3A_144 to %scan3A_146 step %scan3A_147  : i32 {
        %get3A = arith.index_cast %scan3A_155 : i32 to index
        %get3A_156 = arith.constant 0 : index
        %get3A_157 = tpu.vector_load %arg10[%get3A, %get3A_156] {strides = array<i32>} : memref<80x128xf32, #tpu.memory_space<vmem>>, vector<1x16xf32>,
        %get3A_158 = vector.shape_cast %get3A_157 : vector<1x16xf32> to vector<16xf32>
        %get3A_159 = arith.index_cast %scan3A_155 : i32 to index
        %get3A_160 = arith.constant 0 : index
        %get3A_161 = tpu.vector_load %arg12[%get3A_159, %get3A_160] {strides = array<i32>} : memref<80x128xf32, #tpu.memory_space<vmem>>, vector<1x16xf32>,
        %get3A_162 = vector.shape_cast %get3A_161 : vector<1x16xf32> to vector<16xf32>
        %mul3A_163 = arith.mulf %get3A_158, %get3A_162 : vector<16xf32>
        %get3A_164 = arith.index_cast %scan3A_155 : i32 to index
        %get3A_165 = arith.constant 16 : index
        %get3A_166 = tpu.vector_load %arg10[%get3A_164, %get3A_165] {strides = array<i32>} : memref<80x128xf32, #tpu.memory_space<vmem>>, vector<1x16xf32>,
        %get3A_167 = vector.shape_cast %get3A_166 : vector<1x16xf32> to vector<16xf32>
        %get3A_168 = arith.index_cast %scan3A_155 : i32 to index
        %get3A_169 = arith.constant 16 : index
        %get3A_170 = tpu.vector_load %arg12[%get3A_168, %get3A_169] {strides = array<i32>} : memref<80x128xf32, #tpu.memory_space<vmem>>, vector<1x16xf32>,
        %get3A_171 = vector.shape_cast %get3A_170 : vector<1x16xf32> to vector<16xf32>
        %mul3A_172 = arith.mulf %get3A_167, %get3A_171 : vector<16xf32>
        %get3A_173 = arith.index_cast %scan3A_155 : i32 to index
        %get3A_174 = arith.constant 32 : index
        %get3A_175 = tpu.vector_load %arg10[%get3A_173, %get3A_174] {strides = array<i32>} : memref<80x128xf32, #tpu.memory_space<vmem>>, vector<1x16xf32>,
        %get3A_176 = vector.shape_cast %get3A_175 : vector<1x16xf32> to vector<16xf32>
        %get3A_177 = arith.index_cast %scan3A_155 : i32 to index
        %get3A_178 = arith.constant 32 : index
        %get3A_179 = tpu.vector_load %arg12[%get3A_177, %get3A_178] {strides = array<i32>} : memref<80x128xf32, #tpu.memory_space<vmem>>, vector<1x16xf32>,
        %get3A_180 = vector.shape_cast %get3A_179 : vector<1x16xf32> to vector<16xf32>
        %mul3A_181 = arith.mulf %get3A_176, %get3A_180 : vector<16xf32>
        %add3A_182 = arith.addf %mul3A_163, %mul3A_181 : vector<16xf32>
        %get3A_183 = arith.index_cast %scan3A_155 : i32 to index
        %get3A_184 = arith.constant 48 : index
        %get3A_185 = tpu.vector_load %arg10[%get3A_183, %get3A_184] {strides = array<i32>} : memref<80x128xf32, #tpu.memory_space<vmem>>, vector<1x16xf32>,
        %get3A_186 = vector.shape_cast %get3A_185 : vector<1x16xf32> to vector<16xf32>
        %get3A_187 = arith.index_cast %scan3A_155 : i32 to index
        %get3A_188 = arith.constant 48 : index
        %get3A_189 = tpu.vector_load %arg12[%get3A_187, %get3A_188] {strides = array<i32>} : memref<80x128xf32, #tpu.memory_space<vmem>>, vector<1x16xf32>,
        %get3A_190 = vector.shape_cast %get3A_189 : vector<1x16xf32> to vector<16xf32>
        %mul3A_191 = arith.mulf %get3A_186, %get3A_190 : vector<16xf32>
        %add3A_192 = arith.addf %mul3A_172, %mul3A_191 : vector<16xf32>
        %get3A_193 = arith.index_cast %scan3A_155 : i32 to index
        %get3A_194 = arith.constant 64 : index
        %get3A_195 = tpu.vector_load %arg10[%get3A_193, %get3A_194] {strides = array<i32>} : memref<80x128xf32, #tpu.memory_space<vmem>>, vector<1x16xf32>,
        %get3A_196 = vector.shape_cast %get3A_195 : vector<1x16xf32> to vector<16xf32>
        %get3A_197 = arith.index_cast %scan3A_155 : i32 to index
        %get3A_198 = arith.constant 64 : index
        %get3A_199 = tpu.vector_load %arg12[%get3A_197, %get3A_198] {strides = array<i32>} : memref<80x128xf32, #tpu.memory_space<vmem>>, vector<1x16xf32>,
        %get3A_200 = vector.shape_cast %get3A_199 : vector<1x16xf32> to vector<16xf32>
        %mul3A_201 = arith.mulf %get3A_196, %get3A_200 : vector<16xf32>
        %add3A_202 = arith.addf %add3A_182, %mul3A_201 : vector<16xf32>
        %get3A_203 = arith.index_cast %scan3A_155 : i32 to index
        %get3A_204 = arith.constant 80 : index
        %get3A_205 = tpu.vector_load %arg10[%get3A_203, %get3A_204] {strides = array<i32>} : memref<80x128xf32, #tpu.memory_space<vmem>>, vector<1x16xf32>,
        %get3A_206 = vector.shape_cast %get3A_205 : vector<1x16xf32> to vector<16xf32>
        %get3A_207 = arith.index_cast %scan3A_155 : i32 to index
        %get3A_208 = arith.constant 80 : index
        %get3A_209 = tpu.vector_load %arg12[%get3A_207, %get3A_208] {strides = array<i32>} : memref<80x128xf32, #tpu.memory_space<vmem>>, vector<1x16xf32>,
        %get3A_210 = vector.shape_cast %get3A_209 : vector<1x16xf32> to vector<16xf32>
        %mul3A_211 = arith.mulf %get3A_206, %get3A_210 : vector<16xf32>
        %add3A_212 = arith.addf %add3A_192, %mul3A_211 : vector<16xf32>
        %get3A_213 = arith.index_cast %scan3A_155 : i32 to index
        %get3A_214 = arith.constant 96 : index
        %get3A_215 = tpu.vector_load %arg10[%get3A_213, %get3A_214] {strides = array<i32>} : memref<80x128xf32, #tpu.memory_space<vmem>>, vector<1x16xf32>,
        %get3A_216 = vector.shape_cast %get3A_215 : vector<1x16xf32> to vector<16xf32>
        %get3A_217 = arith.index_cast %scan3A_155 : i32 to index
        %get3A_218 = arith.constant 96 : index
        %get3A_219 = tpu.vector_load %arg12[%get3A_217, %get3A_218] {strides = array<i32>} : memref<80x128xf32, #tpu.memory_space<vmem>>, vector<1x16xf32>,
        %get3A_220 = vector.shape_cast %get3A_219 : vector<1x16xf32> to vector<16xf32>
        %mul3A_221 = arith.mulf %get3A_216, %get3A_220 : vector<16xf32>
        %add3A_222 = arith.addf %add3A_202, %mul3A_221 : vector<16xf32>
        %get3A_223 = arith.index_cast %scan3A_155 : i32 to index
        %get3A_224 = arith.constant 112 : index
        %get3A_225 = tpu.vector_load %arg10[%get3A_223, %get3A_224] {strides = array<i32>} : memref<80x128xf32, #tpu.memory_space<vmem>>, vector<1x16xf32>,
        %get3A_226 = vector.shape_cast %get3A_225 : vector<1x16xf32> to vector<16xf32>
        %get3A_227 = arith.index_cast %scan3A_155 : i32 to index
        %get3A_228 = arith.constant 112 : index
        %get3A_229 = tpu.vector_load %arg12[%get3A_227, %get3A_228] {strides = array<i32>} : memref<80x128xf32, #tpu.memory_space<vmem>>, vector<1x16xf32>,
        %get3A_230 = vector.shape_cast %get3A_229 : vector<1x16xf32> to vector<16xf32>
        %mul3A_231 = arith.mulf %get3A_226, %get3A_230 : vector<16xf32>
        %add3A_232 = arith.addf %add3A_212, %mul3A_231 : vector<16xf32>
        %add3A_233 = arith.addf %add3A_222, %add3A_232 : vector<16xf32>
        %swap3A = arith.index_cast %scan3A_155 : i32 to index
        %swap3A_234 = arith.constant 0 : index
        %swap3A_235 = tpu.vector_load %arg14[%swap3A, %swap3A_234] {strides = array<i32>} : memref<80x16xf32, #tpu.memory_space<vmem>>, vector<1x16xf32>,
        %swap3A_236 = vector.shape_cast %swap3A_235 : vector<1x16xf32> to vector<16xf32>
        %swap3A_237 = vector.shape_cast %add3A_233 : vector<16xf32> to vector<1x16xf32>
        tpu.vector_store %arg14[%swap3A, %swap3A_234], %swap3A_237 {strides = array<i32>} : memref<80x16xf32, #tpu.memory_space<vmem>>, vector<1x16xf32>,
      }
      %scan3A_148 = arith.constant 80 : i32
      %scan3A_149 = arith.constant 0 : i32
      %scan3A_150 = arith.constant 0 : i32
      %scan3A_151 = arith.constant 5 : i32
      %scan3A_152 = arith.addi %scan3A_150, %scan3A_151 : i32
      %scan3A_153 = arith.constant 1 : i32
      scf.for %scan3A_155 = %scan3A_150 to %scan3A_152 step %scan3A_153  : i32 {
        %mul3A_156 = arith.constant 16 : i32
        %mul3A_157 = arith.muli %scan3A_155, %mul3A_156 : i32
        %add3A_158 = arith.constant 0 : i32
        %add3A_159 = arith.addi %mul3A_157, %add3A_158 : i32
        %get3A = arith.index_cast %add3A_159 : i32 to index
        %get3A_160 = arith.constant 0 : index
        %get3A_161 = tpu.vector_load %arg14[%get3A, %get3A_160] {strides = array<i32>} : memref<80x16xf32, #tpu.memory_space<vmem>>, vector<1x16xf32>,
        %get3A_162 = vector.shape_cast %get3A_161 : vector<1x16xf32> to vector<16xf32>
        %add3A_163 = arith.constant 8 : i32
        %add3A_164 = arith.addi %mul3A_157, %add3A_163 : i32
        %get3A_165 = arith.index_cast %add3A_164 : i32 to index
        %get3A_166 = arith.constant 0 : index
        %get3A_167 = tpu.vector_load %arg14[%get3A_165, %get3A_166] {strides = array<i32>} : memref<80x16xf32, #tpu.memory_space<vmem>>, vector<1x16xf32>,
        %get3A_168 = vector.shape_cast %get3A_167 : vector<1x16xf32> to vector<16xf32>
        %broadcast_in_dim3A = vector.shape_cast %xor3A_2 : vector<16xi32> to vector<16x1xi32>
        %gather3A = vector.shape_cast %broadcast_in_dim3A : vector<16x1xi32> to vector<16xi32>
        %gather3A_169 = tpu.dynamic_gather %get3A_162[%gather3A] in [0] : vector<16xf32>, vector<16xi32> -> vector<16xf32>
        %add3A_170 = arith.addf %get3A_162, %gather3A_169 : vector<16xf32>
        %broadcast_in_dim3A_171 = vector.shape_cast %xor3A_2 : vector<16xi32> to vector<16x1xi32>
        %gather3A_172 = vector.shape_cast %broadcast_in_dim3A_171 : vector<16x1xi32> to vector<16xi32>
        %gather3A_173 = tpu.dynamic_gather %get3A_168[%gather3A_172] in [0] : vector<16xf32>, vector<16xi32> -> vector<16xf32>
        %add3A_174 = arith.addf %get3A_168, %gather3A_173 : vector<16xf32>
        %select_n3A = arith.select %eq3A_15, %add3A_170, %add3A_174 : vector<16xi1>, vector<16xf32>
        %add3A_175 = arith.constant 4 : i32
        %add3A_176 = arith.addi %mul3A_157, %add3A_175 : i32
        %get3A_177 = arith.index_cast %add3A_176 : i32 to index
        %get3A_178 = arith.constant 0 : index
        %get3A_179 = tpu.vector_load %arg14[%get3A_177, %get3A_178] {strides = array<i32>} : memref<80x16xf32, #tpu.memory_space<vmem>>, vector<1x16xf32>,
        %get3A_180 = vector.shape_cast %get3A_179 : vector<1x16xf32> to vector<16xf32>
        %add3A_181 = arith.constant 12 : i32
        %add3A_182 = arith.addi %mul3A_157, %add3A_181 : i32
        %get3A_183 = arith.index_cast %add3A_182 : i32 to index
        %get3A_184 = arith.constant 0 : index
        %get3A_185 = tpu.vector_load %arg14[%get3A_183, %get3A_184] {strides = array<i32>} : memref<80x16xf32, #tpu.memory_space<vmem>>, vector<1x16xf32>,
        %get3A_186 = vector.shape_cast %get3A_185 : vector<1x16xf32> to vector<16xf32>
        %broadcast_in_dim3A_187 = vector.shape_cast %xor3A_2 : vector<16xi32> to vector<16x1xi32>
        %gather3A_188 = vector.shape_cast %broadcast_in_dim3A_187 : vector<16x1xi32> to vector<16xi32>
        %gather3A_189 = tpu.dynamic_gather %get3A_180[%gather3A_188] in [0] : vector<16xf32>, vector<16xi32> -> vector<16xf32>
        %add3A_190 = arith.addf %get3A_180, %gather3A_189 : vector<16xf32>
        %broadcast_in_dim3A_191 = vector.shape_cast %xor3A_2 : vector<16xi32> to vector<16x1xi32>
        %gather3A_192 = vector.shape_cast %broadcast_in_dim3A_191 : vector<16x1xi32> to vector<16xi32>
        %gather3A_193 = tpu.dynamic_gather %get3A_186[%gather3A_192] in [0] : vector<16xf32>, vector<16xi32> -> vector<16xf32>
        %add3A_194 = arith.addf %get3A_186, %gather3A_193 : vector<16xf32>
        %select_n3A_195 = arith.select %eq3A_15, %add3A_190, %add3A_194 : vector<16xi1>, vector<16xf32>
        %broadcast_in_dim3A_196 = vector.shape_cast %xor3A_5 : vector<16xi32> to vector<16x1xi32>
        %gather3A_197 = vector.shape_cast %broadcast_in_dim3A_196 : vector<16x1xi32> to vector<16xi32>
        %gather3A_198 = tpu.dynamic_gather %select_n3A[%gather3A_197] in [0] : vector<16xf32>, vector<16xi32> -> vector<16xf32>
        %add3A_199 = arith.addf %select_n3A, %gather3A_198 : vector<16xf32>
        %broadcast_in_dim3A_200 = vector.shape_cast %xor3A_5 : vector<16xi32> to vector<16x1xi32>
        %gather3A_201 = vector.shape_cast %broadcast_in_dim3A_200 : vector<16x1xi32> to vector<16xi32>
        %gather3A_202 = tpu.dynamic_gather %select_n3A_195[%gather3A_201] in [0] : vector<16xf32>, vector<16xi32> -> vector<16xf32>
        %add3A_203 = arith.addf %select_n3A_195, %gather3A_202 : vector<16xf32>
        %select_n3A_204 = arith.select %eq3A_21, %add3A_199, %add3A_203 : vector<16xi1>, vector<16xf32>
        %add3A_205 = arith.constant 2 : i32
        %add3A_206 = arith.addi %mul3A_157, %add3A_205 : i32
        %get3A_207 = arith.index_cast %add3A_206 : i32 to index
        %get3A_208 = arith.constant 0 : index
        %get3A_209 = tpu.vector_load %arg14[%get3A_207, %get3A_208] {strides = array<i32>} : memref<80x16xf32, #tpu.memory_space<vmem>>, vector<1x16xf32>,
        %get3A_210 = vector.shape_cast %get3A_209 : vector<1x16xf32> to vector<16xf32>
        %add3A_211 = arith.constant 10 : i32
        %add3A_212 = arith.addi %mul3A_157, %add3A_211 : i32
        %get3A_213 = arith.index_cast %add3A_212 : i32 to index
        %get3A_214 = arith.constant 0 : index
        %get3A_215 = tpu.vector_load %arg14[%get3A_213, %get3A_214] {strides = array<i32>} : memref<80x16xf32, #tpu.memory_space<vmem>>, vector<1x16xf32>,
        %get3A_216 = vector.shape_cast %get3A_215 : vector<1x16xf32> to vector<16xf32>
        %broadcast_in_dim3A_217 = vector.shape_cast %xor3A_2 : vector<16xi32> to vector<16x1xi32>
        %gather3A_218 = vector.shape_cast %broadcast_in_dim3A_217 : vector<16x1xi32> to vector<16xi32>
        %gather3A_219 = tpu.dynamic_gather %get3A_210[%gather3A_218] in [0] : vector<16xf32>, vector<16xi32> -> vector<16xf32>
        %add3A_220 = arith.addf %get3A_210, %gather3A_219 : vector<16xf32>
        %broadcast_in_dim3A_221 = vector.shape_cast %xor3A_2 : vector<16xi32> to vector<16x1xi32>
        %gather3A_222 = vector.shape_cast %broadcast_in_dim3A_221 : vector<16x1xi32> to vector<16xi32>
        %gather3A_223 = tpu.dynamic_gather %get3A_216[%gather3A_222] in [0] : vector<16xf32>, vector<16xi32> -> vector<16xf32>
        %add3A_224 = arith.addf %get3A_216, %gather3A_223 : vector<16xf32>
        %select_n3A_225 = arith.select %eq3A_15, %add3A_220, %add3A_224 : vector<16xi1>, vector<16xf32>
        %add3A_226 = arith.constant 6 : i32
        %add3A_227 = arith.addi %mul3A_157, %add3A_226 : i32
        %get3A_228 = arith.index_cast %add3A_227 : i32 to index
        %get3A_229 = arith.constant 0 : index
        %get3A_230 = tpu.vector_load %arg14[%get3A_228, %get3A_229] {strides = array<i32>} : memref<80x16xf32, #tpu.memory_space<vmem>>, vector<1x16xf32>,
        %get3A_231 = vector.shape_cast %get3A_230 : vector<1x16xf32> to vector<16xf32>
        %add3A_232 = arith.constant 14 : i32
        %add3A_233 = arith.addi %mul3A_157, %add3A_232 : i32
        %get3A_234 = arith.index_cast %add3A_233 : i32 to index
        %get3A_235 = arith.constant 0 : index
        %get3A_236 = tpu.vector_load %arg14[%get3A_234, %get3A_235] {strides = array<i32>} : memref<80x16xf32, #tpu.memory_space<vmem>>, vector<1x16xf32>,
        %get3A_237 = vector.shape_cast %get3A_236 : vector<1x16xf32> to vector<16xf32>
        %broadcast_in_dim3A_238 = vector.shape_cast %xor3A_2 : vector<16xi32> to vector<16x1xi32>
        %gather3A_239 = vector.shape_cast %broadcast_in_dim3A_238 : vector<16x1xi32> to vector<16xi32>
        %gather3A_240 = tpu.dynamic_gather %get3A_231[%gather3A_239] in [0] : vector<16xf32>, vector<16xi32> -> vector<16xf32>
        %add3A_241 = arith.addf %get3A_231, %gather3A_240 : vector<16xf32>
        %broadcast_in_dim3A_242 = vector.shape_cast %xor3A_2 : vector<16xi32> to vector<16x1xi32>
        %gather3A_243 = vector.shape_cast %broadcast_in_dim3A_242 : vector<16x1xi32> to vector<16xi32>
        %gather3A_244 = tpu.dynamic_gather %get3A_237[%gather3A_243] in [0] : vector<16xf32>, vector<16xi32> -> vector<16xf32>
        %add3A_245 = arith.addf %get3A_237, %gather3A_244 : vector<16xf32>
        %select_n3A_246 = arith.select %eq3A_15, %add3A_241, %add3A_245 : vector<16xi1>, vector<16xf32>
        %broadcast_in_dim3A_247 = vector.shape_cast %xor3A_5 : vector<16xi32> to vector<16x1xi32>
        %gather3A_248 = vector.shape_cast %broadcast_in_dim3A_247 : vector<16x1xi32> to vector<16xi32>
        %gather3A_249 = tpu.dynamic_gather %select_n3A_225[%gather3A_248] in [0] : vector<16xf32>, vector<16xi32> -> vector<16xf32>
        %add3A_250 = arith.addf %select_n3A_225, %gather3A_249 : vector<16xf32>
        %broadcast_in_dim3A_251 = vector.shape_cast %xor3A_5 : vector<16xi32> to vector<16x1xi32>
        %gather3A_252 = vector.shape_cast %broadcast_in_dim3A_251 : vector<16x1xi32> to vector<16xi32>
        %gather3A_253 = tpu.dynamic_gather %select_n3A_246[%gather3A_252] in [0] : vector<16xf32>, vector<16xi32> -> vector<16xf32>
        %add3A_254 = arith.addf %select_n3A_246, %gather3A_253 : vector<16xf32>
        %select_n3A_255 = arith.select %eq3A_21, %add3A_250, %add3A_254 : vector<16xi1>, vector<16xf32>
        %broadcast_in_dim3A_256 = vector.shape_cast %xor3A_8 : vector<16xi32> to vector<16x1xi32>
        %gather3A_257 = vector.shape_cast %broadcast_in_dim3A_256 : vector<16x1xi32> to vector<16xi32>
        %gather3A_258 = tpu.dynamic_gather %select_n3A_204[%gather3A_257] in [0] : vector<16xf32>, vector<16xi32> -> vector<16xf32>
        %add3A_259 = arith.addf %select_n3A_204, %gather3A_258 : vector<16xf32>
        %broadcast_in_dim3A_260 = vector.shape_cast %xor3A_8 : vector<16xi32> to vector<16x1xi32>
        %gather3A_261 = vector.shape_cast %broadcast_in_dim3A_260 : vector<16x1xi32> to vector<16xi32>
        %gather3A_262 = tpu.dynamic_gather %select_n3A_255[%gather3A_261] in [0] : vector<16xf32>, vector<16xi32> -> vector<16xf32>
        %add3A_263 = arith.addf %select_n3A_255, %gather3A_262 : vector<16xf32>
        %select_n3A_264 = arith.select %eq3A_27, %add3A_259, %add3A_263 : vector<16xi1>, vector<16xf32>
        %add3A_265 = arith.constant 1 : i32
        %add3A_266 = arith.addi %mul3A_157, %add3A_265 : i32
        %get3A_267 = arith.index_cast %add3A_266 : i32 to index
        %get3A_268 = arith.constant 0 : index
        %get3A_269 = tpu.vector_load %arg14[%get3A_267, %get3A_268] {strides = array<i32>} : memref<80x16xf32, #tpu.memory_space<vmem>>, vector<1x16xf32>,
        %get3A_270 = vector.shape_cast %get3A_269 : vector<1x16xf32> to vector<16xf32>
        %add3A_271 = arith.constant 9 : i32
        %add3A_272 = arith.addi %mul3A_157, %add3A_271 : i32
        %get3A_273 = arith.index_cast %add3A_272 : i32 to index
        %get3A_274 = arith.constant 0 : index
        %get3A_275 = tpu.vector_load %arg14[%get3A_273, %get3A_274] {strides = array<i32>} : memref<80x16xf32, #tpu.memory_space<vmem>>, vector<1x16xf32>,
        %get3A_276 = vector.shape_cast %get3A_275 : vector<1x16xf32> to vector<16xf32>
        %broadcast_in_dim3A_277 = vector.shape_cast %xor3A_2 : vector<16xi32> to vector<16x1xi32>
        %gather3A_278 = vector.shape_cast %broadcast_in_dim3A_277 : vector<16x1xi32> to vector<16xi32>
        %gather3A_279 = tpu.dynamic_gather %get3A_270[%gather3A_278] in [0] : vector<16xf32>, vector<16xi32> -> vector<16xf32>
        %add3A_280 = arith.addf %get3A_270, %gather3A_279 : vector<16xf32>
        %broadcast_in_dim3A_281 = vector.shape_cast %xor3A_2 : vector<16xi32> to vector<16x1xi32>
        %gather3A_282 = vector.shape_cast %broadcast_in_dim3A_281 : vector<16x1xi32> to vector<16xi32>
        %gather3A_283 = tpu.dynamic_gather %get3A_276[%gather3A_282] in [0] : vector<16xf32>, vector<16xi32> -> vector<16xf32>
        %add3A_284 = arith.addf %get3A_276, %gather3A_283 : vector<16xf32>
        %select_n3A_285 = arith.select %eq3A_15, %add3A_280, %add3A_284 : vector<16xi1>, vector<16xf32>
        %add3A_286 = arith.constant 5 : i32
        %add3A_287 = arith.addi %mul3A_157, %add3A_286 : i32
        %get3A_288 = arith.index_cast %add3A_287 : i32 to index
        %get3A_289 = arith.constant 0 : index
        %get3A_290 = tpu.vector_load %arg14[%get3A_288, %get3A_289] {strides = array<i32>} : memref<80x16xf32, #tpu.memory_space<vmem>>, vector<1x16xf32>,
        %get3A_291 = vector.shape_cast %get3A_290 : vector<1x16xf32> to vector<16xf32>
        %add3A_292 = arith.constant 13 : i32
        %add3A_293 = arith.addi %mul3A_157, %add3A_292 : i32
        %get3A_294 = arith.index_cast %add3A_293 : i32 to index
        %get3A_295 = arith.constant 0 : index
        %get3A_296 = tpu.vector_load %arg14[%get3A_294, %get3A_295] {strides = array<i32>} : memref<80x16xf32, #tpu.memory_space<vmem>>, vector<1x16xf32>,
        %get3A_297 = vector.shape_cast %get3A_296 : vector<1x16xf32> to vector<16xf32>
        %broadcast_in_dim3A_298 = vector.shape_cast %xor3A_2 : vector<16xi32> to vector<16x1xi32>
        %gather3A_299 = vector.shape_cast %broadcast_in_dim3A_298 : vector<16x1xi32> to vector<16xi32>
        %gather3A_300 = tpu.dynamic_gather %get3A_291[%gather3A_299] in [0] : vector<16xf32>, vector<16xi32> -> vector<16xf32>
        %add3A_301 = arith.addf %get3A_291, %gather3A_300 : vector<16xf32>
        %broadcast_in_dim3A_302 = vector.shape_cast %xor3A_2 : vector<16xi32> to vector<16x1xi32>
        %gather3A_303 = vector.shape_cast %broadcast_in_dim3A_302 : vector<16x1xi32> to vector<16xi32>
        %gather3A_304 = tpu.dynamic_gather %get3A_297[%gather3A_303] in [0] : vector<16xf32>, vector<16xi32> -> vector<16xf32>
        %add3A_305 = arith.addf %get3A_297, %gather3A_304 : vector<16xf32>
        %select_n3A_306 = arith.select %eq3A_15, %add3A_301, %add3A_305 : vector<16xi1>, vector<16xf32>
        %broadcast_in_dim3A_307 = vector.shape_cast %xor3A_5 : vector<16xi32> to vector<16x1xi32>
        %gather3A_308 = vector.shape_cast %broadcast_in_dim3A_307 : vector<16x1xi32> to vector<16xi32>
        %gather3A_309 = tpu.dynamic_gather %select_n3A_285[%gather3A_308] in [0] : vector<16xf32>, vector<16xi32> -> vector<16xf32>
        %add3A_310 = arith.addf %select_n3A_285, %gather3A_309 : vector<16xf32>
        %broadcast_in_dim3A_311 = vector.shape_cast %xor3A_5 : vector<16xi32> to vector<16x1xi32>
        %gather3A_312 = vector.shape_cast %broadcast_in_dim3A_311 : vector<16x1xi32> to vector<16xi32>
        %gather3A_313 = tpu.dynamic_gather %select_n3A_306[%gather3A_312] in [0] : vector<16xf32>, vector<16xi32> -> vector<16xf32>
        %add3A_314 = arith.addf %select_n3A_306, %gather3A_313 : vector<16xf32>
        %select_n3A_315 = arith.select %eq3A_21, %add3A_310, %add3A_314 : vector<16xi1>, vector<16xf32>
        %add3A_316 = arith.constant 3 : i32
        %add3A_317 = arith.addi %mul3A_157, %add3A_316 : i32
        %get3A_318 = arith.index_cast %add3A_317 : i32 to index
        %get3A_319 = arith.constant 0 : index
        %get3A_320 = tpu.vector_load %arg14[%get3A_318, %get3A_319] {strides = array<i32>} : memref<80x16xf32, #tpu.memory_space<vmem>>, vector<1x16xf32>,
        %get3A_321 = vector.shape_cast %get3A_320 : vector<1x16xf32> to vector<16xf32>
        %add3A_322 = arith.constant 11 : i32
        %add3A_323 = arith.addi %mul3A_157, %add3A_322 : i32
        %get3A_324 = arith.index_cast %add3A_323 : i32 to index
        %get3A_325 = arith.constant 0 : index
        %get3A_326 = tpu.vector_load %arg14[%get3A_324, %get3A_325] {strides = array<i32>} : memref<80x16xf32, #tpu.memory_space<vmem>>, vector<1x16xf32>,
        %get3A_327 = vector.shape_cast %get3A_326 : vector<1x16xf32> to vector<16xf32>
        %broadcast_in_dim3A_328 = vector.shape_cast %xor3A_2 : vector<16xi32> to vector<16x1xi32>
        %gather3A_329 = vector.shape_cast %broadcast_in_dim3A_328 : vector<16x1xi32> to vector<16xi32>
        %gather3A_330 = tpu.dynamic_gather %get3A_321[%gather3A_329] in [0] : vector<16xf32>, vector<16xi32> -> vector<16xf32>
        %add3A_331 = arith.addf %get3A_321, %gather3A_330 : vector<16xf32>
        %broadcast_in_dim3A_332 = vector.shape_cast %xor3A_2 : vector<16xi32> to vector<16x1xi32>
        %gather3A_333 = vector.shape_cast %broadcast_in_dim3A_332 : vector<16x1xi32> to vector<16xi32>
        %gather3A_334 = tpu.dynamic_gather %get3A_327[%gather3A_333] in [0] : vector<16xf32>, vector<16xi32> -> vector<16xf32>
        %add3A_335 = arith.addf %get3A_327, %gather3A_334 : vector<16xf32>
        %select_n3A_336 = arith.select %eq3A_15, %add3A_331, %add3A_335 : vector<16xi1>, vector<16xf32>
        %add3A_337 = arith.constant 7 : i32
        %add3A_338 = arith.addi %mul3A_157, %add3A_337 : i32
        %get3A_339 = arith.index_cast %add3A_338 : i32 to index
        %get3A_340 = arith.constant 0 : index
        %get3A_341 = tpu.vector_load %arg14[%get3A_339, %get3A_340] {strides = array<i32>} : memref<80x16xf32, #tpu.memory_space<vmem>>, vector<1x16xf32>,
        %get3A_342 = vector.shape_cast %get3A_341 : vector<1x16xf32> to vector<16xf32>
        %add3A_343 = arith.constant 15 : i32
        %add3A_344 = arith.addi %mul3A_157, %add3A_343 : i32
        %get3A_345 = arith.index_cast %add3A_344 : i32 to index
        %get3A_346 = arith.constant 0 : index
        %get3A_347 = tpu.vector_load %arg14[%get3A_345, %get3A_346] {strides = array<i32>} : memref<80x16xf32, #tpu.memory_space<vmem>>, vector<1x16xf32>,
        %get3A_348 = vector.shape_cast %get3A_347 : vector<1x16xf32> to vector<16xf32>
        %broadcast_in_dim3A_349 = vector.shape_cast %xor3A_2 : vector<16xi32> to vector<16x1xi32>
        %gather3A_350 = vector.shape_cast %broadcast_in_dim3A_349 : vector<16x1xi32> to vector<16xi32>
        %gather3A_351 = tpu.dynamic_gather %get3A_342[%gather3A_350] in [0] : vector<16xf32>, vector<16xi32> -> vector<16xf32>
        %add3A_352 = arith.addf %get3A_342, %gather3A_351 : vector<16xf32>
        %broadcast_in_dim3A_353 = vector.shape_cast %xor3A_2 : vector<16xi32> to vector<16x1xi32>
        %gather3A_354 = vector.shape_cast %broadcast_in_dim3A_353 : vector<16x1xi32> to vector<16xi32>
        %gather3A_355 = tpu.dynamic_gather %get3A_348[%gather3A_354] in [0] : vector<16xf32>, vector<16xi32> -> vector<16xf32>
        %add3A_356 = arith.addf %get3A_348, %gather3A_355 : vector<16xf32>
        %select_n3A_357 = arith.select %eq3A_15, %add3A_352, %add3A_356 : vector<16xi1>, vector<16xf32>
        %broadcast_in_dim3A_358 = vector.shape_cast %xor3A_5 : vector<16xi32> to vector<16x1xi32>
        %gather3A_359 = vector.shape_cast %broadcast_in_dim3A_358 : vector<16x1xi32> to vector<16xi32>
        %gather3A_360 = tpu.dynamic_gather %select_n3A_336[%gather3A_359] in [0] : vector<16xf32>, vector<16xi32> -> vector<16xf32>
        %add3A_361 = arith.addf %select_n3A_336, %gather3A_360 : vector<16xf32>
        %broadcast_in_dim3A_362 = vector.shape_cast %xor3A_5 : vector<16xi32> to vector<16x1xi32>
        %gather3A_363 = vector.shape_cast %broadcast_in_dim3A_362 : vector<16x1xi32> to vector<16xi32>
        %gather3A_364 = tpu.dynamic_gather %select_n3A_357[%gather3A_363] in [0] : vector<16xf32>, vector<16xi32> -> vector<16xf32>
        %add3A_365 = arith.addf %select_n3A_357, %gather3A_364 : vector<16xf32>
        %select_n3A_366 = arith.select %eq3A_21, %add3A_361, %add3A_365 : vector<16xi1>, vector<16xf32>
        %broadcast_in_dim3A_367 = vector.shape_cast %xor3A_8 : vector<16xi32> to vector<16x1xi32>
        %gather3A_368 = vector.shape_cast %broadcast_in_dim3A_367 : vector<16x1xi32> to vector<16xi32>
        %gather3A_369 = tpu.dynamic_gather %select_n3A_315[%gather3A_368] in [0] : vector<16xf32>, vector<16xi32> -> vector<16xf32>
        %add3A_370 = arith.addf %select_n3A_315, %gather3A_369 : vector<16xf32>
        %broadcast_in_dim3A_371 = vector.shape_cast %xor3A_8 : vector<16xi32> to vector<16x1xi32>
        %gather3A_372 = vector.shape_cast %broadcast_in_dim3A_371 : vector<16x1xi32> to vector<16xi32>
        %gather3A_373 = tpu.dynamic_gather %select_n3A_366[%gather3A_372] in [0] : vector<16xf32>, vector<16xi32> -> vector<16xf32>
        %add3A_374 = arith.addf %select_n3A_366, %gather3A_373 : vector<16xf32>
        %select_n3A_375 = arith.select %eq3A_27, %add3A_370, %add3A_374 : vector<16xi1>, vector<16xf32>
        %broadcast_in_dim3A_376 = vector.shape_cast %xor3A_11 : vector<16xi32> to vector<16x1xi32>
        %gather3A_377 = vector.shape_cast %broadcast_in_dim3A_376 : vector<16x1xi32> to vector<16xi32>
        %gather3A_378 = tpu.dynamic_gather %select_n3A_264[%gather3A_377] in [0] : vector<16xf32>, vector<16xi32> -> vector<16xf32>
        %add3A_379 = arith.addf %select_n3A_264, %gather3A_378 : vector<16xf32>
        %broadcast_in_dim3A_380 = vector.shape_cast %xor3A_11 : vector<16xi32> to vector<16x1xi32>
        %gather3A_381 = vector.shape_cast %broadcast_in_dim3A_380 : vector<16x1xi32> to vector<16xi32>
        %gather3A_382 = tpu.dynamic_gather %select_n3A_375[%gather3A_381] in [0] : vector<16xf32>, vector<16xi32> -> vector<16xf32>
        %add3A_383 = arith.addf %select_n3A_375, %gather3A_382 : vector<16xf32>
        %select_n3A_384 = arith.select %eq3A_33, %add3A_379, %add3A_383 : vector<16xi1>, vector<16xf32>
        %add3A_385 = arith.addi %mul3A_142, %mul3A_157 : i32
        %swap3A = arith.index_cast %add3A_385 : i32 to index
        %swap3A_386 = tpu.vector_load %arg13[%swap3A] {strides = array<i32>} : memref<10000xf32, #tpu.memory_space<vmem>>, vector<16xf32>,
        %swap3A_387 = vector.shape_cast %swap3A_386 : vector<16xf32> to vector<16xf32>
        %swap3A_388 = vector.shape_cast %select_n3A_384 : vector<16xf32> to vector<16xf32>
        tpu.vector_store %arg13[%swap3A], %swap3A_388 {strides = array<i32>} : memref<10000xf32, #tpu.memory_space<vmem>>, vector<16xf32>,
      }
      %scan3A_154 = arith.constant 5 : i32
    }
    %scan3A_51 = arith.constant 62 : i32
    %dma_wait3A = arith.constant 0 : i32
    %dma_wait3A_52 = arith.constant 0 : i32
    %dma_wait3A_53 = tpu.memref_slice %arg7[%dma_wait3A, %dma_wait3A_52] : memref<125x80xi32, #tpu.memory_space<vmem>> -> memref<1x80xi32, #tpu.memory_space<vmem>>
    %dma_wait3A_54 = tpu.memref_squeeze %dma_wait3A_53 : memref<1x80xi32, #tpu.memory_space<vmem>> -> memref<80xi32, #tpu.memory_space<vmem>>
    %dma_wait3A_55 = arith.constant 0 : i32
    %dma_wait3A_56 = arith.constant 0 : i32
    %dma_wait3A_57 = tpu.memref_slice %arg2[%dma_wait3A_55, %dma_wait3A_56] : memref<10000x128xf32, #tpu.memory_space<hbm>> -> memref<10000x128xf32, #tpu.memory_space<hbm>>
    tpu.wait_indirect_dma semaphore(%arg15 : memref<!tpu.dma_semaphore, #tpu.memory_space<semaphore_mem>>) src(%dma_wait3A_57 : memref<10000x128xf32, #tpu.memory_space<hbm>>) dst(%arg9 : memref<80x128xf32, #tpu.memory_space<vmem>>)
    %dma_wait3A_58 = arith.constant 0 : i32
    %dma_wait3A_59 = arith.constant 0 : i32
    %dma_wait3A_60 = tpu.memref_slice %arg8[%dma_wait3A_58, %dma_wait3A_59] : memref<125x80xi32, #tpu.memory_space<vmem>> -> memref<1x80xi32, #tpu.memory_space<vmem>>
    %dma_wait3A_61 = tpu.memref_squeeze %dma_wait3A_60 : memref<1x80xi32, #tpu.memory_space<vmem>> -> memref<80xi32, #tpu.memory_space<vmem>>
    %dma_wait3A_62 = arith.constant 0 : i32
    %dma_wait3A_63 = arith.constant 0 : i32
    %dma_wait3A_64 = tpu.memref_slice %arg3[%dma_wait3A_62, %dma_wait3A_63] : memref<10000x128xf32, #tpu.memory_space<hbm>> -> memref<10000x128xf32, #tpu.memory_space<hbm>>
    tpu.wait_indirect_dma semaphore(%arg15 : memref<!tpu.dma_semaphore, #tpu.memory_space<semaphore_mem>>) src(%dma_wait3A_64 : memref<10000x128xf32, #tpu.memory_space<hbm>>) dst(%arg11 : memref<80x128xf32, #tpu.memory_space<vmem>>)
    %scan3A_65 = arith.constant 0 : i32
    %scan3A_66 = arith.constant 0 : i32
    %scan3A_67 = arith.constant 80 : i32
    %scan3A_68 = arith.addi %scan3A_66, %scan3A_67 : i32
    %scan3A_69 = arith.constant 1 : i32
    scf.for %scan3A_79 = %scan3A_66 to %scan3A_68 step %scan3A_69  : i32 {
      %get3A = arith.index_cast %scan3A_79 : i32 to index
      %get3A_80 = arith.constant 0 : index
      %get3A_81 = tpu.vector_load %arg9[%get3A, %get3A_80] {strides = array<i32>} : memref<80x128xf32, #tpu.memory_space<vmem>>, vector<1x16xf32>,
      %get3A_82 = vector.shape_cast %get3A_81 : vector<1x16xf32> to vector<16xf32>
      %get3A_83 = arith.index_cast %scan3A_79 : i32 to index
      %get3A_84 = arith.constant 0 : index
      %get3A_85 = tpu.vector_load %arg11[%get3A_83, %get3A_84] {strides = array<i32>} : memref<80x128xf32, #tpu.memory_space<vmem>>, vector<1x16xf32>,
      %get3A_86 = vector.shape_cast %get3A_85 : vector<1x16xf32> to vector<16xf32>
      %mul3A_87 = arith.mulf %get3A_82, %get3A_86 : vector<16xf32>
      %get3A_88 = arith.index_cast %scan3A_79 : i32 to index
      %get3A_89 = arith.constant 16 : index
      %get3A_90 = tpu.vector_load %arg9[%get3A_88, %get3A_89] {strides = array<i32>} : memref<80x128xf32, #tpu.memory_space<vmem>>, vector<1x16xf32>,
      %get3A_91 = vector.shape_cast %get3A_90 : vector<1x16xf32> to vector<16xf32>
      %get3A_92 = arith.index_cast %scan3A_79 : i32 to index
      %get3A_93 = arith.constant 16 : index
      %get3A_94 = tpu.vector_load %arg11[%get3A_92, %get3A_93] {strides = array<i32>} : memref<80x128xf32, #tpu.memory_space<vmem>>, vector<1x16xf32>,
      %get3A_95 = vector.shape_cast %get3A_94 : vector<1x16xf32> to vector<16xf32>
      %mul3A_96 = arith.mulf %get3A_91, %get3A_95 : vector<16xf32>
      %get3A_97 = arith.index_cast %scan3A_79 : i32 to index
      %get3A_98 = arith.constant 32 : index
      %get3A_99 = tpu.vector_load %arg9[%get3A_97, %get3A_98] {strides = array<i32>} : memref<80x128xf32, #tpu.memory_space<vmem>>, vector<1x16xf32>,
      %get3A_100 = vector.shape_cast %get3A_99 : vector<1x16xf32> to vector<16xf32>
      %get3A_101 = arith.index_cast %scan3A_79 : i32 to index
      %get3A_102 = arith.constant 32 : index
      %get3A_103 = tpu.vector_load %arg11[%get3A_101, %get3A_102] {strides = array<i32>} : memref<80x128xf32, #tpu.memory_space<vmem>>, vector<1x16xf32>,
      %get3A_104 = vector.shape_cast %get3A_103 : vector<1x16xf32> to vector<16xf32>
      %mul3A_105 = arith.mulf %get3A_100, %get3A_104 : vector<16xf32>
      %add3A_106 = arith.addf %mul3A_87, %mul3A_105 : vector<16xf32>
      %get3A_107 = arith.index_cast %scan3A_79 : i32 to index
      %get3A_108 = arith.constant 48 : index
      %get3A_109 = tpu.vector_load %arg9[%get3A_107, %get3A_108] {strides = array<i32>} : memref<80x128xf32, #tpu.memory_space<vmem>>, vector<1x16xf32>,
      %get3A_110 = vector.shape_cast %get3A_109 : vector<1x16xf32> to vector<16xf32>
      %get3A_111 = arith.index_cast %scan3A_79 : i32 to index
      %get3A_112 = arith.constant 48 : index
      %get3A_113 = tpu.vector_load %arg11[%get3A_111, %get3A_112] {strides = array<i32>} : memref<80x128xf32, #tpu.memory_space<vmem>>, vector<1x16xf32>,
      %get3A_114 = vector.shape_cast %get3A_113 : vector<1x16xf32> to vector<16xf32>
      %mul3A_115 = arith.mulf %get3A_110, %get3A_114 : vector<16xf32>
      %add3A_116 = arith.addf %mul3A_96, %mul3A_115 : vector<16xf32>
      %get3A_117 = arith.index_cast %scan3A_79 : i32 to index
      %get3A_118 = arith.constant 64 : index
      %get3A_119 = tpu.vector_load %arg9[%get3A_117, %get3A_118] {strides = array<i32>} : memref<80x128xf32, #tpu.memory_space<vmem>>, vector<1x16xf32>,
      %get3A_120 = vector.shape_cast %get3A_119 : vector<1x16xf32> to vector<16xf32>
      %get3A_121 = arith.index_cast %scan3A_79 : i32 to index
      %get3A_122 = arith.constant 64 : index
      %get3A_123 = tpu.vector_load %arg11[%get3A_121, %get3A_122] {strides = array<i32>} : memref<80x128xf32, #tpu.memory_space<vmem>>, vector<1x16xf32>,
      %get3A_124 = vector.shape_cast %get3A_123 : vector<1x16xf32> to vector<16xf32>
      %mul3A_125 = arith.mulf %get3A_120, %get3A_124 : vector<16xf32>
      %add3A_126 = arith.addf %add3A_106, %mul3A_125 : vector<16xf32>
      %get3A_127 = arith.index_cast %scan3A_79 : i32 to index
      %get3A_128 = arith.constant 80 : index
      %get3A_129 = tpu.vector_load %arg9[%get3A_127, %get3A_128] {strides = array<i32>} : memref<80x128xf32, #tpu.memory_space<vmem>>, vector<1x16xf32>,
      %get3A_130 = vector.shape_cast %get3A_129 : vector<1x16xf32> to vector<16xf32>
      %get3A_131 = arith.index_cast %scan3A_79 : i32 to index
      %get3A_132 = arith.constant 80 : index
      %get3A_133 = tpu.vector_load %arg11[%get3A_131, %get3A_132] {strides = array<i32>} : memref<80x128xf32, #tpu.memory_space<vmem>>, vector<1x16xf32>,
      %get3A_134 = vector.shape_cast %get3A_133 : vector<1x16xf32> to vector<16xf32>
      %mul3A_135 = arith.mulf %get3A_130, %get3A_134 : vector<16xf32>
      %add3A_136 = arith.addf %add3A_116, %mul3A_135 : vector<16xf32>
      %get3A_137 = arith.index_cast %scan3A_79 : i32 to index
      %get3A_138 = arith.constant 96 : index
      %get3A_139 = tpu.vector_load %arg9[%get3A_137, %get3A_138] {strides = array<i32>} : memref<80x128xf32, #tpu.memory_space<vmem>>, vector<1x16xf32>,
      %get3A_140 = vector.shape_cast %get3A_139 : vector<1x16xf32> to vector<16xf32>
      %get3A_141 = arith.index_cast %scan3A_79 : i32 to index
      %get3A_142 = arith.constant 96 : index
      %get3A_143 = tpu.vector_load %arg11[%get3A_141, %get3A_142] {strides = array<i32>} : memref<80x128xf32, #tpu.memory_space<vmem>>, vector<1x16xf32>,
      %get3A_144 = vector.shape_cast %get3A_143 : vector<1x16xf32> to vector<16xf32>
      %mul3A_145 = arith.mulf %get3A_140, %get3A_144 : vector<16xf32>
      %add3A_146 = arith.addf %add3A_126, %mul3A_145 : vector<16xf32>
      %get3A_147 = arith.index_cast %scan3A_79 : i32 to index
      %get3A_148 = arith.constant 112 : index
      %get3A_149 = tpu.vector_load %arg9[%get3A_147, %get3A_148] {strides = array<i32>} : memref<80x128xf32, #tpu.memory_space<vmem>>, vector<1x16xf32>,
      %get3A_150 = vector.shape_cast %get3A_149 : vector<1x16xf32> to vector<16xf32>
      %get3A_151 = arith.index_cast %scan3A_79 : i32 to index
      %get3A_152 = arith.constant 112 : index
      %get3A_153 = tpu.vector_load %arg11[%get3A_151, %get3A_152] {strides = array<i32>} : memref<80x128xf32, #tpu.memory_space<vmem>>, vector<1x16xf32>,
      %get3A_154 = vector.shape_cast %get3A_153 : vector<1x16xf32> to vector<16xf32>
      %mul3A_155 = arith.mulf %get3A_150, %get3A_154 : vector<16xf32>
      %add3A_156 = arith.addf %add3A_136, %mul3A_155 : vector<16xf32>
      %add3A_157 = arith.addf %add3A_146, %add3A_156 : vector<16xf32>
      %swap3A = arith.index_cast %scan3A_79 : i32 to index
      %swap3A_158 = arith.constant 0 : index
      %swap3A_159 = tpu.vector_load %arg14[%swap3A, %swap3A_158] {strides = array<i32>} : memref<80x16xf32, #tpu.memory_space<vmem>>, vector<1x16xf32>,
      %swap3A_160 = vector.shape_cast %swap3A_159 : vector<1x16xf32> to vector<16xf32>
      %swap3A_161 = vector.shape_cast %add3A_157 : vector<16xf32> to vector<1x16xf32>
      tpu.vector_store %arg14[%swap3A, %swap3A_158], %swap3A_161 {strides = array<i32>} : memref<80x16xf32, #tpu.memory_space<vmem>>, vector<1x16xf32>,
    }
    %scan3A_70 = arith.constant 80 : i32
    %scan3A_71 = arith.constant 0 : i32
    %scan3A_72 = arith.constant 0 : i32
    %scan3A_73 = arith.constant 5 : i32
    %scan3A_74 = arith.addi %scan3A_72, %scan3A_73 : i32
    %scan3A_75 = arith.constant 1 : i32
    scf.for %scan3A_79 = %scan3A_72 to %scan3A_74 step %scan3A_75  : i32 {
      %mul3A_80 = arith.constant 16 : i32
      %mul3A_81 = arith.muli %scan3A_79, %mul3A_80 : i32
      %add3A_82 = arith.constant 0 : i32
      %add3A_83 = arith.addi %mul3A_81, %add3A_82 : i32
      %get3A = arith.index_cast %add3A_83 : i32 to index
      %get3A_84 = arith.constant 0 : index
      %get3A_85 = tpu.vector_load %arg14[%get3A, %get3A_84] {strides = array<i32>} : memref<80x16xf32, #tpu.memory_space<vmem>>, vector<1x16xf32>,
      %get3A_86 = vector.shape_cast %get3A_85 : vector<1x16xf32> to vector<16xf32>
      %add3A_87 = arith.constant 8 : i32
      %add3A_88 = arith.addi %mul3A_81, %add3A_87 : i32
      %get3A_89 = arith.index_cast %add3A_88 : i32 to index
      %get3A_90 = arith.constant 0 : index
      %get3A_91 = tpu.vector_load %arg14[%get3A_89, %get3A_90] {strides = array<i32>} : memref<80x16xf32, #tpu.memory_space<vmem>>, vector<1x16xf32>,
      %get3A_92 = vector.shape_cast %get3A_91 : vector<1x16xf32> to vector<16xf32>
      %broadcast_in_dim3A = vector.shape_cast %xor3A_2 : vector<16xi32> to vector<16x1xi32>
      %gather3A = vector.shape_cast %broadcast_in_dim3A : vector<16x1xi32> to vector<16xi32>
      %gather3A_93 = tpu.dynamic_gather %get3A_86[%gather3A] in [0] : vector<16xf32>, vector<16xi32> -> vector<16xf32>
      %add3A_94 = arith.addf %get3A_86, %gather3A_93 : vector<16xf32>
      %broadcast_in_dim3A_95 = vector.shape_cast %xor3A_2 : vector<16xi32> to vector<16x1xi32>
      %gather3A_96 = vector.shape_cast %broadcast_in_dim3A_95 : vector<16x1xi32> to vector<16xi32>
      %gather3A_97 = tpu.dynamic_gather %get3A_92[%gather3A_96] in [0] : vector<16xf32>, vector<16xi32> -> vector<16xf32>
      %add3A_98 = arith.addf %get3A_92, %gather3A_97 : vector<16xf32>
      %select_n3A = arith.select %eq3A_15, %add3A_94, %add3A_98 : vector<16xi1>, vector<16xf32>
      %add3A_99 = arith.constant 4 : i32
      %add3A_100 = arith.addi %mul3A_81, %add3A_99 : i32
      %get3A_101 = arith.index_cast %add3A_100 : i32 to index
      %get3A_102 = arith.constant 0 : index
      %get3A_103 = tpu.vector_load %arg14[%get3A_101, %get3A_102] {strides = array<i32>} : memref<80x16xf32, #tpu.memory_space<vmem>>, vector<1x16xf32>,
      %get3A_104 = vector.shape_cast %get3A_103 : vector<1x16xf32> to vector<16xf32>
      %add3A_105 = arith.constant 12 : i32
      %add3A_106 = arith.addi %mul3A_81, %add3A_105 : i32
      %get3A_107 = arith.index_cast %add3A_106 : i32 to index
      %get3A_108 = arith.constant 0 : index
      %get3A_109 = tpu.vector_load %arg14[%get3A_107, %get3A_108] {strides = array<i32>} : memref<80x16xf32, #tpu.memory_space<vmem>>, vector<1x16xf32>,
      %get3A_110 = vector.shape_cast %get3A_109 : vector<1x16xf32> to vector<16xf32>
      %broadcast_in_dim3A_111 = vector.shape_cast %xor3A_2 : vector<16xi32> to vector<16x1xi32>
      %gather3A_112 = vector.shape_cast %broadcast_in_dim3A_111 : vector<16x1xi32> to vector<16xi32>
      %gather3A_113 = tpu.dynamic_gather %get3A_104[%gather3A_112] in [0] : vector<16xf32>, vector<16xi32> -> vector<16xf32>
      %add3A_114 = arith.addf %get3A_104, %gather3A_113 : vector<16xf32>
      %broadcast_in_dim3A_115 = vector.shape_cast %xor3A_2 : vector<16xi32> to vector<16x1xi32>
      %gather3A_116 = vector.shape_cast %broadcast_in_dim3A_115 : vector<16x1xi32> to vector<16xi32>
      %gather3A_117 = tpu.dynamic_gather %get3A_110[%gather3A_116] in [0] : vector<16xf32>, vector<16xi32> -> vector<16xf32>
      %add3A_118 = arith.addf %get3A_110, %gather3A_117 : vector<16xf32>
      %select_n3A_119 = arith.select %eq3A_15, %add3A_114, %add3A_118 : vector<16xi1>, vector<16xf32>
      %broadcast_in_dim3A_120 = vector.shape_cast %xor3A_5 : vector<16xi32> to vector<16x1xi32>
      %gather3A_121 = vector.shape_cast %broadcast_in_dim3A_120 : vector<16x1xi32> to vector<16xi32>
      %gather3A_122 = tpu.dynamic_gather %select_n3A[%gather3A_121] in [0] : vector<16xf32>, vector<16xi32> -> vector<16xf32>
      %add3A_123 = arith.addf %select_n3A, %gather3A_122 : vector<16xf32>
      %broadcast_in_dim3A_124 = vector.shape_cast %xor3A_5 : vector<16xi32> to vector<16x1xi32>
      %gather3A_125 = vector.shape_cast %broadcast_in_dim3A_124 : vector<16x1xi32> to vector<16xi32>
      %gather3A_126 = tpu.dynamic_gather %select_n3A_119[%gather3A_125] in [0] : vector<16xf32>, vector<16xi32> -> vector<16xf32>
      %add3A_127 = arith.addf %select_n3A_119, %gather3A_126 : vector<16xf32>
      %select_n3A_128 = arith.select %eq3A_21, %add3A_123, %add3A_127 : vector<16xi1>, vector<16xf32>
      %add3A_129 = arith.constant 2 : i32
      %add3A_130 = arith.addi %mul3A_81, %add3A_129 : i32
      %get3A_131 = arith.index_cast %add3A_130 : i32 to index
      %get3A_132 = arith.constant 0 : index
      %get3A_133 = tpu.vector_load %arg14[%get3A_131, %get3A_132] {strides = array<i32>} : memref<80x16xf32, #tpu.memory_space<vmem>>, vector<1x16xf32>,
      %get3A_134 = vector.shape_cast %get3A_133 : vector<1x16xf32> to vector<16xf32>
      %add3A_135 = arith.constant 10 : i32
      %add3A_136 = arith.addi %mul3A_81, %add3A_135 : i32
      %get3A_137 = arith.index_cast %add3A_136 : i32 to index
      %get3A_138 = arith.constant 0 : index
      %get3A_139 = tpu.vector_load %arg14[%get3A_137, %get3A_138] {strides = array<i32>} : memref<80x16xf32, #tpu.memory_space<vmem>>, vector<1x16xf32>,
      %get3A_140 = vector.shape_cast %get3A_139 : vector<1x16xf32> to vector<16xf32>
      %broadcast_in_dim3A_141 = vector.shape_cast %xor3A_2 : vector<16xi32> to vector<16x1xi32>
      %gather3A_142 = vector.shape_cast %broadcast_in_dim3A_141 : vector<16x1xi32> to vector<16xi32>
      %gather3A_143 = tpu.dynamic_gather %get3A_134[%gather3A_142] in [0] : vector<16xf32>, vector<16xi32> -> vector<16xf32>
      %add3A_144 = arith.addf %get3A_134, %gather3A_143 : vector<16xf32>
      %broadcast_in_dim3A_145 = vector.shape_cast %xor3A_2 : vector<16xi32> to vector<16x1xi32>
      %gather3A_146 = vector.shape_cast %broadcast_in_dim3A_145 : vector<16x1xi32> to vector<16xi32>
      %gather3A_147 = tpu.dynamic_gather %get3A_140[%gather3A_146] in [0] : vector<16xf32>, vector<16xi32> -> vector<16xf32>
      %add3A_148 = arith.addf %get3A_140, %gather3A_147 : vector<16xf32>
      %select_n3A_149 = arith.select %eq3A_15, %add3A_144, %add3A_148 : vector<16xi1>, vector<16xf32>
      %add3A_150 = arith.constant 6 : i32
      %add3A_151 = arith.addi %mul3A_81, %add3A_150 : i32
      %get3A_152 = arith.index_cast %add3A_151 : i32 to index
      %get3A_153 = arith.constant 0 : index
      %get3A_154 = tpu.vector_load %arg14[%get3A_152, %get3A_153] {strides = array<i32>} : memref<80x16xf32, #tpu.memory_space<vmem>>, vector<1x16xf32>,
      %get3A_155 = vector.shape_cast %get3A_154 : vector<1x16xf32> to vector<16xf32>
      %add3A_156 = arith.constant 14 : i32
      %add3A_157 = arith.addi %mul3A_81, %add3A_156 : i32
      %get3A_158 = arith.index_cast %add3A_157 : i32 to index
      %get3A_159 = arith.constant 0 : index
      %get3A_160 = tpu.vector_load %arg14[%get3A_158, %get3A_159] {strides = array<i32>} : memref<80x16xf32, #tpu.memory_space<vmem>>, vector<1x16xf32>,
      %get3A_161 = vector.shape_cast %get3A_160 : vector<1x16xf32> to vector<16xf32>
      %broadcast_in_dim3A_162 = vector.shape_cast %xor3A_2 : vector<16xi32> to vector<16x1xi32>
      %gather3A_163 = vector.shape_cast %broadcast_in_dim3A_162 : vector<16x1xi32> to vector<16xi32>
      %gather3A_164 = tpu.dynamic_gather %get3A_155[%gather3A_163] in [0] : vector<16xf32>, vector<16xi32> -> vector<16xf32>
      %add3A_165 = arith.addf %get3A_155, %gather3A_164 : vector<16xf32>
      %broadcast_in_dim3A_166 = vector.shape_cast %xor3A_2 : vector<16xi32> to vector<16x1xi32>
      %gather3A_167 = vector.shape_cast %broadcast_in_dim3A_166 : vector<16x1xi32> to vector<16xi32>
      %gather3A_168 = tpu.dynamic_gather %get3A_161[%gather3A_167] in [0] : vector<16xf32>, vector<16xi32> -> vector<16xf32>
      %add3A_169 = arith.addf %get3A_161, %gather3A_168 : vector<16xf32>
      %select_n3A_170 = arith.select %eq3A_15, %add3A_165, %add3A_169 : vector<16xi1>, vector<16xf32>
      %broadcast_in_dim3A_171 = vector.shape_cast %xor3A_5 : vector<16xi32> to vector<16x1xi32>
      %gather3A_172 = vector.shape_cast %broadcast_in_dim3A_171 : vector<16x1xi32> to vector<16xi32>
      %gather3A_173 = tpu.dynamic_gather %select_n3A_149[%gather3A_172] in [0] : vector<16xf32>, vector<16xi32> -> vector<16xf32>
      %add3A_174 = arith.addf %select_n3A_149, %gather3A_173 : vector<16xf32>
      %broadcast_in_dim3A_175 = vector.shape_cast %xor3A_5 : vector<16xi32> to vector<16x1xi32>
      %gather3A_176 = vector.shape_cast %broadcast_in_dim3A_175 : vector<16x1xi32> to vector<16xi32>
      %gather3A_177 = tpu.dynamic_gather %select_n3A_170[%gather3A_176] in [0] : vector<16xf32>, vector<16xi32> -> vector<16xf32>
      %add3A_178 = arith.addf %select_n3A_170, %gather3A_177 : vector<16xf32>
      %select_n3A_179 = arith.select %eq3A_21, %add3A_174, %add3A_178 : vector<16xi1>, vector<16xf32>
      %broadcast_in_dim3A_180 = vector.shape_cast %xor3A_8 : vector<16xi32> to vector<16x1xi32>
      %gather3A_181 = vector.shape_cast %broadcast_in_dim3A_180 : vector<16x1xi32> to vector<16xi32>
      %gather3A_182 = tpu.dynamic_gather %select_n3A_128[%gather3A_181] in [0] : vector<16xf32>, vector<16xi32> -> vector<16xf32>
      %add3A_183 = arith.addf %select_n3A_128, %gather3A_182 : vector<16xf32>
      %broadcast_in_dim3A_184 = vector.shape_cast %xor3A_8 : vector<16xi32> to vector<16x1xi32>
      %gather3A_185 = vector.shape_cast %broadcast_in_dim3A_184 : vector<16x1xi32> to vector<16xi32>
      %gather3A_186 = tpu.dynamic_gather %select_n3A_179[%gather3A_185] in [0] : vector<16xf32>, vector<16xi32> -> vector<16xf32>
      %add3A_187 = arith.addf %select_n3A_179, %gather3A_186 : vector<16xf32>
      %select_n3A_188 = arith.select %eq3A_27, %add3A_183, %add3A_187 : vector<16xi1>, vector<16xf32>
      %add3A_189 = arith.constant 1 : i32
      %add3A_190 = arith.addi %mul3A_81, %add3A_189 : i32
      %get3A_191 = arith.index_cast %add3A_190 : i32 to index
      %get3A_192 = arith.constant 0 : index
      %get3A_193 = tpu.vector_load %arg14[%get3A_191, %get3A_192] {strides = array<i32>} : memref<80x16xf32, #tpu.memory_space<vmem>>, vector<1x16xf32>,
      %get3A_194 = vector.shape_cast %get3A_193 : vector<1x16xf32> to vector<16xf32>
      %add3A_195 = arith.constant 9 : i32
      %add3A_196 = arith.addi %mul3A_81, %add3A_195 : i32
      %get3A_197 = arith.index_cast %add3A_196 : i32 to index
      %get3A_198 = arith.constant 0 : index
      %get3A_199 = tpu.vector_load %arg14[%get3A_197, %get3A_198] {strides = array<i32>} : memref<80x16xf32, #tpu.memory_space<vmem>>, vector<1x16xf32>,
      %get3A_200 = vector.shape_cast %get3A_199 : vector<1x16xf32> to vector<16xf32>
      %broadcast_in_dim3A_201 = vector.shape_cast %xor3A_2 : vector<16xi32> to vector<16x1xi32>
      %gather3A_202 = vector.shape_cast %broadcast_in_dim3A_201 : vector<16x1xi32> to vector<16xi32>
      %gather3A_203 = tpu.dynamic_gather %get3A_194[%gather3A_202] in [0] : vector<16xf32>, vector<16xi32> -> vector<16xf32>
      %add3A_204 = arith.addf %get3A_194, %gather3A_203 : vector<16xf32>
      %broadcast_in_dim3A_205 = vector.shape_cast %xor3A_2 : vector<16xi32> to vector<16x1xi32>
      %gather3A_206 = vector.shape_cast %broadcast_in_dim3A_205 : vector<16x1xi32> to vector<16xi32>
      %gather3A_207 = tpu.dynamic_gather %get3A_200[%gather3A_206] in [0] : vector<16xf32>, vector<16xi32> -> vector<16xf32>
      %add3A_208 = arith.addf %get3A_200, %gather3A_207 : vector<16xf32>
      %select_n3A_209 = arith.select %eq3A_15, %add3A_204, %add3A_208 : vector<16xi1>, vector<16xf32>
      %add3A_210 = arith.constant 5 : i32
      %add3A_211 = arith.addi %mul3A_81, %add3A_210 : i32
      %get3A_212 = arith.index_cast %add3A_211 : i32 to index
      %get3A_213 = arith.constant 0 : index
      %get3A_214 = tpu.vector_load %arg14[%get3A_212, %get3A_213] {strides = array<i32>} : memref<80x16xf32, #tpu.memory_space<vmem>>, vector<1x16xf32>,
      %get3A_215 = vector.shape_cast %get3A_214 : vector<1x16xf32> to vector<16xf32>
      %add3A_216 = arith.constant 13 : i32
      %add3A_217 = arith.addi %mul3A_81, %add3A_216 : i32
      %get3A_218 = arith.index_cast %add3A_217 : i32 to index
      %get3A_219 = arith.constant 0 : index
      %get3A_220 = tpu.vector_load %arg14[%get3A_218, %get3A_219] {strides = array<i32>} : memref<80x16xf32, #tpu.memory_space<vmem>>, vector<1x16xf32>,
      %get3A_221 = vector.shape_cast %get3A_220 : vector<1x16xf32> to vector<16xf32>
      %broadcast_in_dim3A_222 = vector.shape_cast %xor3A_2 : vector<16xi32> to vector<16x1xi32>
      %gather3A_223 = vector.shape_cast %broadcast_in_dim3A_222 : vector<16x1xi32> to vector<16xi32>
      %gather3A_224 = tpu.dynamic_gather %get3A_215[%gather3A_223] in [0] : vector<16xf32>, vector<16xi32> -> vector<16xf32>
      %add3A_225 = arith.addf %get3A_215, %gather3A_224 : vector<16xf32>
      %broadcast_in_dim3A_226 = vector.shape_cast %xor3A_2 : vector<16xi32> to vector<16x1xi32>
      %gather3A_227 = vector.shape_cast %broadcast_in_dim3A_226 : vector<16x1xi32> to vector<16xi32>
      %gather3A_228 = tpu.dynamic_gather %get3A_221[%gather3A_227] in [0] : vector<16xf32>, vector<16xi32> -> vector<16xf32>
      %add3A_229 = arith.addf %get3A_221, %gather3A_228 : vector<16xf32>
      %select_n3A_230 = arith.select %eq3A_15, %add3A_225, %add3A_229 : vector<16xi1>, vector<16xf32>
      %broadcast_in_dim3A_231 = vector.shape_cast %xor3A_5 : vector<16xi32> to vector<16x1xi32>
      %gather3A_232 = vector.shape_cast %broadcast_in_dim3A_231 : vector<16x1xi32> to vector<16xi32>
      %gather3A_233 = tpu.dynamic_gather %select_n3A_209[%gather3A_232] in [0] : vector<16xf32>, vector<16xi32> -> vector<16xf32>
      %add3A_234 = arith.addf %select_n3A_209, %gather3A_233 : vector<16xf32>
      %broadcast_in_dim3A_235 = vector.shape_cast %xor3A_5 : vector<16xi32> to vector<16x1xi32>
      %gather3A_236 = vector.shape_cast %broadcast_in_dim3A_235 : vector<16x1xi32> to vector<16xi32>
      %gather3A_237 = tpu.dynamic_gather %select_n3A_230[%gather3A_236] in [0] : vector<16xf32>, vector<16xi32> -> vector<16xf32>
      %add3A_238 = arith.addf %select_n3A_230, %gather3A_237 : vector<16xf32>
      %select_n3A_239 = arith.select %eq3A_21, %add3A_234, %add3A_238 : vector<16xi1>, vector<16xf32>
      %add3A_240 = arith.constant 3 : i32
      %add3A_241 = arith.addi %mul3A_81, %add3A_240 : i32
      %get3A_242 = arith.index_cast %add3A_241 : i32 to index
      %get3A_243 = arith.constant 0 : index
      %get3A_244 = tpu.vector_load %arg14[%get3A_242, %get3A_243] {strides = array<i32>} : memref<80x16xf32, #tpu.memory_space<vmem>>, vector<1x16xf32>,
      %get3A_245 = vector.shape_cast %get3A_244 : vector<1x16xf32> to vector<16xf32>
      %add3A_246 = arith.constant 11 : i32
      %add3A_247 = arith.addi %mul3A_81, %add3A_246 : i32
      %get3A_248 = arith.index_cast %add3A_247 : i32 to index
      %get3A_249 = arith.constant 0 : index
      %get3A_250 = tpu.vector_load %arg14[%get3A_248, %get3A_249] {strides = array<i32>} : memref<80x16xf32, #tpu.memory_space<vmem>>, vector<1x16xf32>,
      %get3A_251 = vector.shape_cast %get3A_250 : vector<1x16xf32> to vector<16xf32>
      %broadcast_in_dim3A_252 = vector.shape_cast %xor3A_2 : vector<16xi32> to vector<16x1xi32>
      %gather3A_253 = vector.shape_cast %broadcast_in_dim3A_252 : vector<16x1xi32> to vector<16xi32>
      %gather3A_254 = tpu.dynamic_gather %get3A_245[%gather3A_253] in [0] : vector<16xf32>, vector<16xi32> -> vector<16xf32>
      %add3A_255 = arith.addf %get3A_245, %gather3A_254 : vector<16xf32>
      %broadcast_in_dim3A_256 = vector.shape_cast %xor3A_2 : vector<16xi32> to vector<16x1xi32>
      %gather3A_257 = vector.shape_cast %broadcast_in_dim3A_256 : vector<16x1xi32> to vector<16xi32>
      %gather3A_258 = tpu.dynamic_gather %get3A_251[%gather3A_257] in [0] : vector<16xf32>, vector<16xi32> -> vector<16xf32>
      %add3A_259 = arith.addf %get3A_251, %gather3A_258 : vector<16xf32>
      %select_n3A_260 = arith.select %eq3A_15, %add3A_255, %add3A_259 : vector<16xi1>, vector<16xf32>
      %add3A_261 = arith.constant 7 : i32
      %add3A_262 = arith.addi %mul3A_81, %add3A_261 : i32
      %get3A_263 = arith.index_cast %add3A_262 : i32 to index
      %get3A_264 = arith.constant 0 : index
      %get3A_265 = tpu.vector_load %arg14[%get3A_263, %get3A_264] {strides = array<i32>} : memref<80x16xf32, #tpu.memory_space<vmem>>, vector<1x16xf32>,
      %get3A_266 = vector.shape_cast %get3A_265 : vector<1x16xf32> to vector<16xf32>
      %add3A_267 = arith.constant 15 : i32
      %add3A_268 = arith.addi %mul3A_81, %add3A_267 : i32
      %get3A_269 = arith.index_cast %add3A_268 : i32 to index
      %get3A_270 = arith.constant 0 : index
      %get3A_271 = tpu.vector_load %arg14[%get3A_269, %get3A_270] {strides = array<i32>} : memref<80x16xf32, #tpu.memory_space<vmem>>, vector<1x16xf32>,
      %get3A_272 = vector.shape_cast %get3A_271 : vector<1x16xf32> to vector<16xf32>
      %broadcast_in_dim3A_273 = vector.shape_cast %xor3A_2 : vector<16xi32> to vector<16x1xi32>
      %gather3A_274 = vector.shape_cast %broadcast_in_dim3A_273 : vector<16x1xi32> to vector<16xi32>
      %gather3A_275 = tpu.dynamic_gather %get3A_266[%gather3A_274] in [0] : vector<16xf32>, vector<16xi32> -> vector<16xf32>
      %add3A_276 = arith.addf %get3A_266, %gather3A_275 : vector<16xf32>
      %broadcast_in_dim3A_277 = vector.shape_cast %xor3A_2 : vector<16xi32> to vector<16x1xi32>
      %gather3A_278 = vector.shape_cast %broadcast_in_dim3A_277 : vector<16x1xi32> to vector<16xi32>
      %gather3A_279 = tpu.dynamic_gather %get3A_272[%gather3A_278] in [0] : vector<16xf32>, vector<16xi32> -> vector<16xf32>
      %add3A_280 = arith.addf %get3A_272, %gather3A_279 : vector<16xf32>
      %select_n3A_281 = arith.select %eq3A_15, %add3A_276, %add3A_280 : vector<16xi1>, vector<16xf32>
      %broadcast_in_dim3A_282 = vector.shape_cast %xor3A_5 : vector<16xi32> to vector<16x1xi32>
      %gather3A_283 = vector.shape_cast %broadcast_in_dim3A_282 : vector<16x1xi32> to vector<16xi32>
      %gather3A_284 = tpu.dynamic_gather %select_n3A_260[%gather3A_283] in [0] : vector<16xf32>, vector<16xi32> -> vector<16xf32>
      %add3A_285 = arith.addf %select_n3A_260, %gather3A_284 : vector<16xf32>
      %broadcast_in_dim3A_286 = vector.shape_cast %xor3A_5 : vector<16xi32> to vector<16x1xi32>
      %gather3A_287 = vector.shape_cast %broadcast_in_dim3A_286 : vector<16x1xi32> to vector<16xi32>
      %gather3A_288 = tpu.dynamic_gather %select_n3A_281[%gather3A_287] in [0] : vector<16xf32>, vector<16xi32> -> vector<16xf32>
      %add3A_289 = arith.addf %select_n3A_281, %gather3A_288 : vector<16xf32>
      %select_n3A_290 = arith.select %eq3A_21, %add3A_285, %add3A_289 : vector<16xi1>, vector<16xf32>
      %broadcast_in_dim3A_291 = vector.shape_cast %xor3A_8 : vector<16xi32> to vector<16x1xi32>
      %gather3A_292 = vector.shape_cast %broadcast_in_dim3A_291 : vector<16x1xi32> to vector<16xi32>
      %gather3A_293 = tpu.dynamic_gather %select_n3A_239[%gather3A_292] in [0] : vector<16xf32>, vector<16xi32> -> vector<16xf32>
      %add3A_294 = arith.addf %select_n3A_239, %gather3A_293 : vector<16xf32>
      %broadcast_in_dim3A_295 = vector.shape_cast %xor3A_8 : vector<16xi32> to vector<16x1xi32>
      %gather3A_296 = vector.shape_cast %broadcast_in_dim3A_295 : vector<16x1xi32> to vector<16xi32>
      %gather3A_297 = tpu.dynamic_gather %select_n3A_290[%gather3A_296] in [0] : vector<16xf32>, vector<16xi32> -> vector<16xf32>
      %add3A_298 = arith.addf %select_n3A_290, %gather3A_297 : vector<16xf32>
      %select_n3A_299 = arith.select %eq3A_27, %add3A_294, %add3A_298 : vector<16xi1>, vector<16xf32>
      %broadcast_in_dim3A_300 = vector.shape_cast %xor3A_11 : vector<16xi32> to vector<16x1xi32>
      %gather3A_301 = vector.shape_cast %broadcast_in_dim3A_300 : vector<16x1xi32> to vector<16xi32>
      %gather3A_302 = tpu.dynamic_gather %select_n3A_188[%gather3A_301] in [0] : vector<16xf32>, vector<16xi32> -> vector<16xf32>
      %add3A_303 = arith.addf %select_n3A_188, %gather3A_302 : vector<16xf32>
      %broadcast_in_dim3A_304 = vector.shape_cast %xor3A_11 : vector<16xi32> to vector<16x1xi32>
      %gather3A_305 = vector.shape_cast %broadcast_in_dim3A_304 : vector<16x1xi32> to vector<16xi32>
      %gather3A_306 = tpu.dynamic_gather %select_n3A_299[%gather3A_305] in [0] : vector<16xf32>, vector<16xi32> -> vector<16xf32>
      %add3A_307 = arith.addf %select_n3A_299, %gather3A_306 : vector<16xf32>
      %select_n3A_308 = arith.select %eq3A_33, %add3A_303, %add3A_307 : vector<16xi1>, vector<16xf32>
      %add3A_309 = arith.constant 9920 : i32
      %add3A_310 = arith.addi %add3A_309, %mul3A_81 : i32
      %swap3A = arith.index_cast %add3A_310 : i32 to index
      %swap3A_311 = tpu.vector_load %arg13[%swap3A] {strides = array<i32>} : memref<10000xf32, #tpu.memory_space<vmem>>, vector<16xf32>,
      %swap3A_312 = vector.shape_cast %swap3A_311 : vector<16xf32> to vector<16xf32>
      %swap3A_313 = vector.shape_cast %select_n3A_308 : vector<16xf32> to vector<16xf32>
      tpu.vector_store %arg13[%swap3A], %swap3A_313 {strides = array<i32>} : memref<10000xf32, #tpu.memory_space<vmem>>, vector<16xf32>,
    }
    %scan3A_76 = arith.constant 5 : i32
    %mul3A_77 = arith.constant 10000 : i32
    %mul3A_78 = arith.muli %add3A, %mul3A_77 : i32
    "tpu.region"() ({
      %run_scoped3A = tpu.sem_alloc : memref<!tpu.dma_semaphore, #tpu.memory_space<semaphore_mem>>
      %dma_start3A_79 = tpu.memref_slice %arg6[%mul3A_78] : memref<320000xf32, #tpu.memory_space<hbm>> -> memref<10000xf32, #tpu.memory_space<hbm>>
      %dma_start3A_80 = tpu.memref_slice %arg6[%mul3A_78] : memref<320000xf32, #tpu.memory_space<hbm>> -> memref<10000xf32, #tpu.memory_space<hbm>>
      tpu.enqueue_dma source(%arg13 : memref<10000xf32, #tpu.memory_space<vmem>>) target(%dma_start3A_80 : memref<10000xf32, #tpu.memory_space<hbm>>) target_semaphore(%run_scoped3A : memref<!tpu.dma_semaphore, #tpu.memory_space<semaphore_mem>>)
      %dma_wait3A_81 = tpu.memref_slice %arg6[%mul3A_78] : memref<320000xf32, #tpu.memory_space<hbm>> -> memref<10000xf32, #tpu.memory_space<hbm>>
      %dma_wait3A_82 = tpu.memref_slice %arg6[%mul3A_78] : memref<320000xf32, #tpu.memory_space<hbm>> -> memref<10000xf32, #tpu.memory_space<hbm>>
      tpu.wait_dma2 semaphore(%run_scoped3A : memref<!tpu.dma_semaphore, #tpu.memory_space<semaphore_mem>>) src(%arg13 : memref<10000xf32, #tpu.memory_space<vmem>>) dst(%dma_wait3A_82 : memref<10000xf32, #tpu.memory_space<hbm>>)
      tpu.yield
    }) : () -> ()
    return
  }
}

</mosaic_0001>

<sc_bundles>
// kernel: kernel.3.cloned.1.call-start
scs
__scs_entry_jumppad:
0x0: {  	(pc) =	sbr.rel $0x88, $3  }
0x1: {  	(tag) =	ssettag $0x0;
	lr =	simm.s32 $0x1  }
0x2: {  	[smem:$0x3F9E] =	sst lr;
	_ =	strace $0xD0000000  }
0x3: {  	_ = 	snop  }
0x4: {  	_ = 	snop  }
0x5: {  	_ = 	snop  }
0x6: {  	_ = 	snop  }
0x7: {  	_ = 	snop  }
__scs_overlays_trampoline_lowered:
0x8: {  	[smem:$0x3FAD] =	sst s0  }
0x9: {  	[smem:$0x3FAE] =	sst s1  }
0xa: {  	[smem:$0x3FAF] =	sst s2  }
0xb: {  	[smem:$0x3FB0] =	sst s3  }
0xc: {  	[smem:$0x3FB1] =	sst s4  }
0xd: {  	[smem:$0x3FB2] =	sst s5  }
0xe: {  	[smem:$0x3FB3] =	sst s6  }
0xf: {  	[smem:$0x3FB4] =	sst s7  }
0x10: {  	[smem:$0x3FB5] =	sst s8  }
0x11: {  	[smem:$0x3FB6] =	sst s9;
	s0 =	simm.s32 @!p0 $0x0  }
0x12: {  	s1 =	sld [smem:$0x3F9C];
	s0 =	simm.s32 @p0 $0x1  }
0x13: {  	[smem:$0x3FB7] =	sst s0;
	s0 =	simm.s32 @!p1 $0x0  }
0x14: {  	s2 =	sld [smem:$0x3F9B];
	s0 =	simm.s32 @p1 $0x1  }
0x15: {  	[smem:$0x3FB8] =	sst s0;
	s0 =	simm.s32 @!p2 $0x0  }
0x16: {  	s3 =	sld [smem:$0x3FDB];
	s0 =	simm.s32 @p2 $0x1  }
0x17: {  	s4 =	simm.s32 $0x1BF5;
	[smem:$0x3FBA] =	sst s0  }
0x18: {  	s0 =	sld [smem:$0x3F9D];
	_ =	swait.ge [sflag:s4], $0x0  }
0x19: {  	s7 =	sld [smem:$0x3F9E]  }
0x1a: {  	s8 =	sadd.s32 $0xFFFFE003, lr  }
0x1b: {  	s9 =	sadd.s32 $0xFFFFFEF7, lr;
	s5 =	simm.s32 $0xFFFFFFFF;
	p2 =	slt.u32 s8, $0xFFFFF086  }
0x1c: {  	p1 =	slt.u32 s9, $0xF7A;
	s5 =	simm.s32 @!p2 $0x0  }
0x1d: {  	s5 =	simm.s32 @p1 $0x1;
	p0 =	seq.s32 s7, s2  }
0x1e: {  	s7 =	smul.u32 @!p0 $0xF7A, s2;
	p2 =	seq.s32 @!p0 s5, $0x0  }
0x1f: {  	s9 =	smul.u32 $0xF7A, s1;
	s8 =	simm.s32 @!p0 $0x1BF5;
	p2 =	por !p2, p0  }
0x20: {  	[sflag:s8] =	ssyncset.s32 @!p0 $0xFFFFF086;
	s6 =	sadd.s32 @!p0 s3, s7;
	s7 =	simm.s32 @!p0 $0x108  }
0x21: {  	s3 =	sadd.s32 s3, s9;
	s6 =	sadd.s32 @!p0 $0x88, s6;
	s7 =	simm.s32 @p2 $0x1082  }
0x22: {  	[simem:s7], [sflag:s8] =	dma.local @!p0 [hbm:s6], $0xF7A  }
0x23: {  	s9 =	sor.u32 $0xD0000000, s2;
	s6 =	simm.s32 $0x108;
	_ =	swait.ge @!p0 [sflag:s8], $0x0  }
0x24: {  	s3 =	sadd.s32 $0x88, s3;
	s6 =	simm.s32 @!p1 $0x1082;
	[sflag:s4] =	ssyncset.s32 $0xFFFFF086  }
0x25: {  	[simem:s6], [sflag:s4] =	dma.local [hbm:s3], $0xF7A  }
0x26: {  	[smem:$0x3F9E] =	sst s1;
	(tag) =	ssettag s2;
	_ =	strace s9  }
0x27: {  	s1 =	sld [smem:$0x3FAE]  }
0x28: {  	s2 =	sld [smem:$0x3FAF]  }
0x29: {  	s4 =	sld [smem:$0x3FB1]  }
0x2a: {  	p0 =	seq.s32 s5, $0x0;
	s5 =	sld [smem:$0x3FB2]  }
0x2b: {  	s6 =	sld [smem:$0x3FB3]  }
0x2c: {  	s7 =	sld [smem:$0x3FB4]  }
0x2d: {  	s3 =	simm.s32 $0x108;
	s8 =	sld [smem:$0x3FB5]  }
0x2e: {  	s3 =	simm.s32 @!p0 $0x1082;
	s9 =	sld [smem:$0x3FB6]  }
0x2f: {  	lr =	sadd.s32 s0, s3;
	s0 =	sld [smem:$0x3FAD]  }
0x30: {  	s3 =	sld [smem:$0x3FB0]  }
0x31: {  	[smem:$0x3FB9] =	sst s10  }
0x32: {  	s10 =	sld [smem:$0x3FB7];
	_ =	sdelay $0x3  }
0x33: {  	p0 =	seq.s32 s10, $0x1;
	s10 =	sld [smem:$0x3FB9];
	_ =	sdelay $0x3  }
0x34: {  	[smem:$0x3FB9] =	sst s10  }
0x35: {  	s10 =	sld [smem:$0x3FB8];
	_ =	sdelay $0x3  }
0x36: {  	p1 =	seq.s32 s10, $0x1;
	s10 =	sld [smem:$0x3FB9];
	_ =	sdelay $0x3  }
0x37: {  	[smem:$0x3FB9] =	sst s10  }
0x38: {  	s10 =	sld [smem:$0x3FBA]  }
0x39: {  	_ = 	snop;
	(pc) =	sbr.ind lr, $3  }
0x3a: {  	_ = 	snop  }
0x3b: {  	_ = 	snop  }
0x3c: {  	p2 =	seq.s32 s10, $0x1;
	s10 =	sld [smem:$0x3FB9]  }
0x3d: {  	_ =	shalt  }
0x3e: {  	_ =	shalt  }
0x3f: {  	_ =	shalt  }
0x40: {  	_ =	shalt  }
0x41: {  	_ =	shalt  }
0x42: {  	_ =	shalt  }
0x43: {  	_ =	shalt  }
0x44: {  	_ =	shalt  }
0x45: {  	_ =	shalt  }
0x46: {  	_ =	shalt  }
0x47: {  	_ =	shalt  }
0x48: {  	_ =	shalt  }
0x49: {  	_ =	shalt  }
0x4a: {  	_ =	shalt  }
0x4b: {  	_ =	shalt  }
0x4c: {  	_ =	shalt  }
0x4d: {  	_ =	shalt  }
0x4e: {  	_ =	shalt  }
0x4f: {  	_ =	shalt  }
0x50: {  	_ =	shalt  }
0x51: {  	_ =	shalt  }
0x52: {  	_ =	shalt  }
0x53: {  	_ =	shalt  }
0x54: {  	_ =	shalt  }
0x55: {  	_ =	shalt  }
0x56: {  	_ =	shalt  }
0x57: {  	_ =	shalt  }
0x58: {  	_ =	shalt  }
0x59: {  	_ =	shalt  }
0x5a: {  	_ =	shalt  }
0x5b: {  	_ =	shalt  }
0x5c: {  	_ =	shalt  }
0x5d: {  	_ =	shalt  }
0x5e: {  	_ =	shalt  }
0x5f: {  	_ =	shalt  }
0x60: {  	_ =	shalt  }
0x61: {  	_ =	shalt  }
0x62: {  	_ =	shalt  }
0x63: {  	_ =	shalt  }
0x64: {  	_ =	shalt  }
0x65: {  	_ =	shalt  }
0x66: {  	_ =	shalt  }
0x67: {  	_ =	shalt  }
0x68: {  	_ =	shalt  }
0x69: {  	_ =	shalt  }
0x6a: {  	_ =	shalt  }
0x6b: {  	_ =	shalt  }
0x6c: {  	_ =	shalt  }
0x6d: {  	_ =	shalt  }
0x6e: {  	_ =	shalt  }
0x6f: {  	_ =	shalt  }
0x70: {  	_ =	shalt  }
0x71: {  	_ =	shalt  }
0x72: {  	_ =	shalt  }
0x73: {  	_ =	shalt  }
0x74: {  	_ =	shalt  }
0x75: {  	_ =	shalt  }
0x76: {  	_ =	shalt  }
0x77: {  	_ =	shalt  }
0x78: {  	_ =	shalt  }
0x79: {  	_ =	shalt  }
0x7a: {  	_ =	shalt  }
0x7b: {  	_ =	shalt  }
0x7c: {  	_ =	shalt  }
0x7d: {  	_ =	shalt  }
0x7e: {  	_ =	shalt  }
0x7f: {  	_ =	shalt  }
0x80: {  	_ =	shalt  }
0x81: {  	_ =	shalt  }
0x82: {  	_ =	shalt  }
0x83: {  	_ =	shalt  }
0x84: {  	_ =	shalt  }
0x85: {  	_ =	shalt  }
0x86: {  	_ =	shalt  }
0x87: {  	_ =	shalt  }
.Lfunc_end0:
.L_simem_size_0:
called_computation_lowered:
.L_overlay_start_0:
0x88: {  	s2 =	sld [smem:$0x3FD9]  }
0x89: {  	s3 =	sld [smem:$0x3FFE];
	_ =	sdelay $0x1  }
0x8a: {  	s1 =	srdreg.scid  }
0x8b: {  	s0 =	sand.u32 $0x1, s1  }
0x8c: {  	s17 =	sshll.u32 s0, $0xA;
	s2 =	sadd.s32 s3, s2  }
0x8d: {  	s2 =	sadd.s32 s2, s17  }
0x8e: {  	[smem:$0x3FC5] =	sst s2  }
0x8f: {  	_ = 	snop  }
0x90: {  	s2 =	sld [smem:$0x3FC9]  }
0x91: {  	s18 =	sld [smem:$0x3FC8]  }
0x92: {  	s4 =	sld [smem:$0x3FD0];
	(tm) =	ssettm $0x1  }
0x93: {  	s5 =	sld [smem:$0x3FFB];
	_ =	sdelay $0x3  }
0x94: {  	_ =	strace s5  }
0x95: {  	s5 =	sld [smem:$0x3FFC];
	_ =	sdelay $0x3  }
0x96: {  	_ =	strace s5  }
0x97: {  	s5 =	sld [smem:$0x3FFD];
	_ =	sdelay $0x3  }
0x98: {  	_ =	strace s5  }
0x99: {  	_ =	strace $0x8FFFFFFF  }
0x9a: {  	s19 =	sld [smem:$0x3FDB];
	_ =	sdelay $0x1  }
0x9b: {  	s6 =	simm.s32 $_scs_section_size  }
0x9c: {  	s7 =	simm.s32 $_size__tile_overlayer_lowered;
	s8 =	simm.s32 $_tile_overlayer_lowered  }
0x9d: {  	s22 =	simm.s32 $0x1BFF;
	s21 =	sshll.u32 s8, $0x1;
	s5 =	sadd.s32 s6, s19  }
0x9e: {  	s9 =	simm.s32 $0x0;
	s20 =	sshll.u32 s7, $0x1;
	s7 =	sadd.s32 s21, s5  }
0x9f: {  	[timem:s9], [sflag:s22] =	dma.local [hbm:s7], s20  }
0xa0: {  	_ =	swait.ge [sflag:s22], s20  }
0xa1: {  	s6 =	ssub.s32 $0x0, s20;
	[sflag:s22] =	ssyncset.done $0x0  }
0xa2: {  	[sflag:s22] =	ssyncadd.s32 s6;
	_ =	sdelay $0x1  }
0xa3: {  	s23 =	simm.s32 $0x1B8B  }
0xa4: {  	_ =	swait.ge [sflag:s23], $0x1  }
0xa5: {  	[sflag:s23] =	ssyncset.done $0x0  }
0xa6: {  	s25 =	simm.s32 $0x1B8E;
	s24 =	sld [smem:$0x3FFE];
	[sflag:s23] =	ssyncadd.s32 $0xFFFFFFFF  }
0xa7: {  	s26 =	simm.s32 $execute0_lowered;
	[smem:$0x3FD2] =	sst s25  }
0xa8: {  	s7 =	sshll.u32 s26, $0x1;
	_ =	strace $0x80000046;
	[dreg:$0x1] =	wrdreg $0xFFFFFFFF  }
0xa9: {  	s28 =	simm.s32 $_size_execute0_lowered;
	s5 =	sadd.s32 s5, s7;
	[dreg:$0x0] =	wrdreg $0x0  }
0xaa: {  	s7 =	sshll.u32 s28, $0x1;
	[dreg:$0x2] =	wrdreg s5  }
0xab: {  	[dreg:$0x3] =	wrdreg s7  }
0xac: {  	[dreg:$0x4] =	wrdreg $0xC0  }
0xad: {  	_ =	task [dreg:s9], $0x5FFFF  }
0xae: {  	[dreg:$0x1] =	wrdreg $0xFFFFFFFF  }
0xaf: {  	[dreg:$0x0] =	wrdreg $0x60  }
0xb0: {  	[dreg:$0x2] =	wrdreg s2  }
0xb1: {  	[dreg:$0x3] =	wrdreg s18  }
0xb2: {  	[dreg:$0x4] =	wrdreg s24  }
0xb3: {  	[dreg:$0x5] =	wrdreg s4  }
0xb4: {  	[dreg:$0x6] =	wrdreg $0x9  }
0xb5: {  	_ =	task.clear_ibuf [dreg:s9], $0x7FFFF;
	_ =	strace $0x90000046  }
0xb6: {  	s29 =	simm.s32 $0x9;
	_ =	strace $0x80000048  }
0xb7: {  	_ =	swait.ge [sflag:s29], $0x1  }
0xb8: {  	[sflag:s29] =	ssyncadd.s32 $0xFFFFFFFF  }
0xb9: {  	_ =	strace $0x90000048  }
0xba: {  	_ =	sfence  }
0xbb: {  	s30 =	sld [smem:$0x0];
	_ =	sdelay $0x2  }
0xbc: {  	s31 =	sshll.u32 s1, $0xD;
	s1 =	sshrl.u32 s1, $0x2  }
0xbd: {  	s3 =	sand.u32 $0x4000, s31;
	s1 =	sadd.s32 s1, s30  }
0xbe: {  	s0 =	sor.u32 s3, s0;
	s1 =	sshll.u32 s1, $0x11  }
0xbf: {  	s0 =	sor.u32 s1, s0  }
0xc0: {  	s0 =	sadd.s32 $0x8F2B, s0  }
0xc1: {  	[sflag:s0] =	ssyncadd.remote.s32 $0x1  }
0xc2: {  	_ =	sfence.sel $0xFFFF  }
0xc3: {  	[dreg:$0x0] =	wrdreg $0xFFFFFFFF;
	(pc) =	sbr.abs _section_cstart, $3  }
0xc4: {  	[dreg:$0x1] =	wrdreg $0xFFFFFFFF  }
0xc5: {  	_ =	task.clear_ibuf [dreg:s9], $0x2FFFF;
	_ =	strace $0x9FFFFFFF  }
0xc6: {  	(tm) =	ssettm $0x7FFFFFFF  }
0xc7: {  	_ =	shalt  }
tec
execute0_lowered:
.L_overlay_start_1:
0x0: {  	(tag) =	ssettag $0x1  }
0x1: {  	v0 =	vimm.s32 $0x76543210;
	v1 =	vimm.s32 $0xFEDCBA98;
	v2 =	vimm.s32 $0xBA98FEDC  }
0x2: {  	v3 =	vimm.s32 $0x32107654;
	v4 =	vimm.s32 $0xDCFE98BA;
	v5 =	vimm.s32 $0x54761032  }
0x3: {  	vm0 =	vcmask $0x2F20;
	vm1 =	vcmask $0xF00;
	vm2 =	vcmask $0x1710  }
0x4: {  	vm3 =	vcmask $0x700;
	vm4 =	vcmask $0x300;
	v1 =	vunpack.c.l.s4.s8 v1  }
0x5: {  	v0 =	vunpack.c.l.s4.s8 v0;
	v2 =	vunpack.c.l.s4.s8 v2;
	v3 =	vunpack.c.l.s4.s8 v3  }
0x6: {  	v4 =	vunpack.c.l.s4.s8 v4;
	vm0 =	vmor vm1, vm0;
	v1 =	vunpack.c.0.s8.s32 v1  }
0x7: {  	s0 =	rddreg [dreg:$0x0];
	v0 =	vunpack.c.0.s8.s32 v0;
	v2 =	vunpack.c.0.s8.s32 v2;
	v3 =	vunpack.c.0.s8.s32 v3  }
0x8: {  	s1 =	rddreg [dreg:$0x1];
	vm1 =	vmor vm3, vm2;
	vm3 =	vcmask $0xB08;
	v1 =	vand.u32 $0xF, v1  }
0x9: {  	s5 =	rddreg [dreg:$0x2];
	v0 =	vcombine.low v1, v0;
	v1 =	vcombine.low v3, v2;
	v2 =	vunpack.c.l.s4.s8 v5  }
0xa: {  	s7 =	rddreg [dreg:$0x3];
	vm2 =	vcmask $0x2720;
	vm3 =	vmor vm4, vm3  }
0xb: {  	s2 =	rddreg [dreg:$0x4];
	s6 =	srdreg.scid;
	vm4 =	vcmask $0x1310;
	v3 =	vunpack.c.0.s8.s32 v4;
	v2 =	vunpack.c.0.s8.s32 v2  }
0xc: {  	s3 =	stileid.u32;
	s4 =	simm.s32 $0x0;
	s11 =	simm.s32 $0x50;
	vm1 =	vmor vm1, vm2;
	vm2 =	vcmask $0x3730;
	vm3 =	vmor vm3, vm4  }
0xd: {  	s12 =	simm.s32 $0x8000;
	s13 =	simm.s32 $0xD000;
	s14 =	simm.s32 $0x1;
	v4 =	vimm.s32 $0x67452301;
	v2 =	vcombine.low v2, v3;
	v3 =	vimm.s32 $0xEFCDAB89  }
0xe: {  	s15 =	simm.s32 $0xA800;
	s16 =	simm.s32 $0xF800;
	s17 =	simm.s32 $0x2;
	vm4 =	vcmask $0x1B18;
	v4 =	vunpack.c.l.s4.s8 v4;
	v3 =	vunpack.c.l.s4.s8 v3  }
0xf: {  	s18 =	simm.s32 $0x12000;
	s6 =	sand.u32 $0x1, s6;
	s8 =	sshll.u32 s3, $0x1;
	vm1 =	vmor vm1, vm2;
	vm2 =	vmor vm3, vm4  }
0x10: {  	s19 =	simm.s32 $0x0;
	[smem:$0x7FF] =	sst s4;
	s8 =	sor.u32 s6, s8;
	vm3 =	vcmask $0x2320;
	v4 =	vunpack.c.0.s8.s32 v4;
	v3 =	vunpack.c.0.s8.s32 v3  }
0x11: {  	s6 =	ssub.s32 $0x2, s6;
	_ =	strace $0x80000047;
	s9 =	sshll.u32 s8, $0xB;
	vm4 =	vcmask $0x2B28;
	vm3 =	vmor vm2, vm3;
	vm2 =	vmmov $0xff  }
0x12: {  	s8 =	smul.u32 $0x4E2, s8;
	s10 =	sshrl.u32 s6, $0x1;
	s5 =	sadd.s32 s5, s9;
	vm3 =	vmor vm3, vm4;
	vm4 =	vcmask $0x3330;
	v3 =	vcombine.low v4, v3  }
0x13: {  	s31 =	ssub.s32 s6, s10;
	s9 =	simm.s32 $0x3;
	s10 =	simm.s32 $0x4000;
	vm3 =	vmor vm3, vm4;
	vm4 =	vcmask $0x3B38;
	v1 =	vand.u32 $0xF, v1  }
0x14: {  	s6 =	sadd.s32 $0x10000, s5;
	s7 =	sadd.s32 s7, s8;
	s8 =	smax.u32 s31, $0x1;
	vm3 =	vmor vm3, vm4;
	v2 =	vand.u32 $0xF, v2;
	v3 =	vand.u32 $0xF, v3  }
.LBB2_1:
0x15: {  	[tilespmem:s4], [sflag:$0x3] =	stream.linear.gather [hbm4b:s6+s4], $0x3E80, $0x38;
	[tilespmem:$0x16F80] =	vst v63  }
0x16: {  	_ =	swait.ge [sflag:s9], $0x3E80  }
0x17: {  	[sflag:s9] =	ssyncset.done $0x0  }
0x18: {  	[sflag:s9] =	ssyncadd.s32 $0xFFFFC180  }
0x19: {  	[tilespmem:s10], [sflag:$0x3] =	stream.linear.gather [hbm4b:s5+s4], $0x3E80, $0x38;
	[tilespmem:$0x16F80] =	vst v63  }
0x1a: {  	_ =	swait.ge [sflag:s9], $0x3E80  }
0x1b: {  	[sflag:s9] =	ssyncset.done $0x0  }
0x1c: {  	[sflag:s9] =	ssyncadd.s32 $0xFFFFC180  }
0x1d: {  	[tilespmem:s12], [sflag:$0x1] =	stream.indirect.gather [hbm4b:s0+s11], $0x80, s4, s11, $0xb8;
	[tilespmem:$0x16F80] =	vst v63  }
0x1e: {  	s20 =	simm.s32 $0x12050;
	s21 =	simm.s32 $0x12000;
	s22 =	simm.s32 $0x0  }
0x1f: {  	[tilespmem:s13], [sflag:$0x1] =	stream.indirect.gather [hbm4b:s1+s11], $0x80, s10, s11, $0xb8;
	[tilespmem:$0x16F80] =	vst v63  }
.LBB2_2:
0x20: {  	_ =	swait.ge [sflag:s14], $0x2800  }
0x21: {  	[sflag:s14] =	ssyncset.done $0x0  }
0x22: {  	[sflag:s14] =	ssyncadd.s32 $0xFFFFD800  }
0x23: {  	_ =	swait.ge [sflag:s14], $0x2800  }
0x24: {  	s23 =	sshll.u32 s22, $0x8;
	[sflag:s14] =	ssyncset.done $0x0  }
0x25: {  	s24 =	sor.u32 $0x80, s23;
	[sflag:s14] =	ssyncadd.s32 $0xFFFFD800  }
0x26: {  	[tilespmem:s15], [sflag:$0x2] =	stream.indirect.gather [hbm4b:s0+s11], $0x80, s24, s11, $0xb8;
	[tilespmem:$0x16F80] =	vst v63  }
0x27: {  	s31 =	sadd.s32 $0x4080, s23;
	s24 =	simm.s32 $0x0  }
0x28: {  	[tilespmem:s16], [sflag:$0x2] =	stream.indirect.gather [hbm4b:s1+s11], $0x80, s31, s11, $0xb8;
	[tilespmem:$0x16F80] =	vst v63  }
0x29: {  	v4 =	vld [tilespmem:s24+$0x8060]  }
0x2a: {  	v6 =	vld [tilespmem:s24+$0xD060]  }
0x2b: {  	v5 =	vld [tilespmem:s24+$0x8040]  }
0x2c: {  	v7 =	vld [tilespmem:s24+$0xD040]  }
0x2d: {  	v8 =	vld [tilespmem:s24+$0x8000]  }
0x2e: {  	v9 =	vld [tilespmem:s24+$0xD000]  }
0x2f: {  	v10 =	vld [tilespmem:s24+$0x8010]  }
0x30: {  	v12 =	vld [tilespmem:s24+$0xD010]  }
0x31: {  	v11 =	vld [tilespmem:s24+$0x8020]  }
0x32: {  	v13 =	vld [tilespmem:s24+$0xD020]  }
0x33: {  	s25 =	simm.s32 $0x200;
	v14 =	vld [tilespmem:s24+$0x8030]  }
.LBB2_3:
0x34: {  	p0 =	sne.s32 s25, $0x9E00;
	v15 =	vld [tilespmem:s24+$0xD030]  }
0x35: {  	v16 =	vld [tilespmem:s24+$0x8050]  }
0x36: {  	v17 =	vld [tilespmem:s24+$0xD050]  }
0x37: {  	v18 =	vld [tilespmem:s24+$0x8070]  }
0x38: {  	s26 =	sshra.s32 s25, $0x2;
	v8 =	vmul.f32 v9, v8;
	v9 =	vmul.f32 v12, v10;
	v10 =	vld [tilespmem:s24+$0xD070]  }
0x39: {  	v11 =	vmul.f32 v13, v11;
	v12 =	vld [tilespmem:s26+$0x8060];
	v13 =	vmul.f32 v15, v14  }
0x3a: {  	v15 =	vmul.f32 v7, v5;
	v14 =	vld [tilespmem:s26+$0xD060]  }
0x3b: {  	v11 =	vadd.f32 v11, v8;
	v5 =	vld [tilespmem:s26+$0x8040];
	v9 =	vadd.f32 v13, v9;
	v13 =	vmul.f32 v17, v16  }
0x3c: {  	v17 =	vmul.f32 v6, v4;
	v7 =	vld [tilespmem:s26+$0xD040]  }
0x3d: {  	v11 =	vadd.f32 v15, v11;
	v8 =	vld [tilespmem:s26+$0x8000];
	v13 =	vadd.f32 v13, v9;
	v15 =	vmul.f32 v10, v18  }
0x3e: {  	v9 =	vld [tilespmem:s26+$0xD000];
	v4 =	vmov v12  }
.Ltmp0:
0x3f: {  	v16 =	vadd.f32 v17, v11;
	v10 =	vld [tilespmem:s26+$0x8010];
	v13 =	vadd.f32 v15, v13;
	v6 =	vmov v14;
	(pc) =	sbr.rel @p0 .LBB2_3-.Ltmp0, $4  }
0x40: {  	v12 =	vld [tilespmem:s26+$0xD010]  }
0x41: {  	v11 =	vld [tilespmem:s26+$0x8020];
	v15 =	vadd.f32 v13, v16  }
0x42: {  	v13 =	vld [tilespmem:s26+$0xD020]  }
0x43: {  	s25 =	sadd.s32 $0x200, s25;
	v14 =	vld [tilespmem:s26+$0x8030];
	[tilespmem:s24+$0x14780] =	vst v15;
	s24 =	smov.u32 s26  }
0x44: {  	v15 =	vld [tilespmem:s24+$0xD030]  }
0x45: {  	v16 =	vld [tilespmem:s24+$0x8050]  }
0x46: {  	v17 =	vld [tilespmem:s24+$0xD050]  }
0x47: {  	v18 =	vld [tilespmem:s24+$0x8070]  }
0x48: {  	v8 =	vmul.f32 v9, v8;
	v23 =	vld [tilespmem:s24+$0xD070];
	v22 =	vmul.f32 v12, v10  }
0x49: {  	v11 =	vmul.f32 v13, v11;
	v24 =	vmul.f32 v15, v14  }
0x4a: {  	v5 =	vmul.f32 v7, v5  }
0x4b: {  	v7 =	vadd.f32 v11, v8;
	v26 =	vmul.f32 v17, v16;
	v25 =	vadd.f32 v24, v22  }
0x4c: {  	v4 =	vmul.f32 v6, v4  }
0x4d: {  	v5 =	vadd.f32 v5, v7;
	v7 =	vmul.f32 v23, v18;
	v6 =	vadd.f32 v26, v25;
	_ =	sdelay $0x1  }
0x4e: {  	v4 =	vadd.f32 v4, v5;
	v5 =	vadd.f32 v7, v6;
	_ =	sdelay $0x1  }
0x4f: {  	v4 =	vadd.f32 v5, v4;
	_ =	sdelay $0x1  }
0x50: {  	[tilespmem:s24+$0x14780] =	vst v4;
	s24 =	simm.s32 $0x14B80  }
0x51: {  	v4 =	vld [tilespmem:s24+$0xFFFFFE00]  }
0x52: {  	v5 =	vld [tilespmem:s24+$0x200]  }
0x53: {  	v6 =	vld [tilespmem:s24+$0xFFFFFD00]  }
0x54: {  	v7 =	vld [tilespmem:s24+$0x100]  }
0x55: {  	v27 =	vld [tilespmem:s24+$0xFFFFFC00]  }
0x56: {  	v28 =	vld [tilespmem:s24+$0x380]  }
0x57: {  	v30 =	vld [tilespmem:s24+$0xFFFFFF80]  }
0x58: {  	v33 =	vld [tilespmem:s24+$0xFFFFFD80]  }
0x59: {  	v36 =	vld [tilespmem:s24+$0x280]  }
0x5a: {  	v38 =	vld [tilespmem:s24+$0xFFFFFE80]  }
0x5b: {  	v41 =	vld [tilespmem:s24+$0xFFFFFC80];
	v29 =	vperm.xlane v4, v0;
	v31 =	vperm.xlane v5, v0  }
0x5c: {  	v44 =	vld [tilespmem:s24+$0xFFFFFF00];
	v34 =	vperm.xlane v6, v0;
	v35 =	vperm.xlane v7, v0  }
0x5d: {  	v45 =	vld [tilespmem:s24+$0x0];
	v37 =	vperm.xlane v27, v0;
	v39 =	vperm.xlane v28, v0  }
0x5e: {  	v42 =	vperm.xlane v30, v0;
	v43 =	vperm.xlane v33, v0  }
0x5f: {  	v19 =	vld [tilespmem:s24+$0x300];
	v21 =	vperm.xlane v36, v0;
	v46 =	vperm.xlane v38, v0  }
0x60: {  	v48 =	vperm.xlane v41, v0;
	v4 =	vadd.f32 v29, v4;
	v5 =	vadd.f32 v31, v5  }
0x61: {  	v32 =	vld [tilespmem:s24+$0x180];
	v50 =	vperm.xlane v44, v0;
	v6 =	vadd.f32 v34, v6;
	v8 =	vadd.f32 v37, v27  }
0x62: {  	v51 =	vperm.xlane v45, v0;
	v9 =	vadd.f32 v39, v28;
	v11 =	vadd.f32 v42, v30  }
0x63: {  	v10 =	vadd.f32 v43, v33;
	v4 =	vsel vm2, v4, v5;
	v5 =	vadd.f32 v35, v7;
	v7 =	vld [tilespmem:s24+$0x80]  }
0x64: {  	v49 =	vperm.xlane v19, v0;
	v15 =	vadd.f32 v21, v36;
	v13 =	vadd.f32 v46, v38  }
0x65: {  	v12 =	vadd.f32 v50, v44;
	v54 =	vadd.f32 v51, v45;
	v9 =	vsel vm2, v11, v9  }
0x66: {  	v11 =	vadd.f32 v48, v41;
	v5 =	vsel vm2, v6, v5;
	v6 =	vperm.xlane v32, v0  }
0x67: {  	v13 =	vsel vm2, v13, v15;
	v8 =	vsel vm2, v8, v54;
	v40 =	vperm.xlane v4, v1  }
0x68: {  	v53 =	vperm.xlane v13, v1;
	v6 =	vadd.f32 v6, v32;
	v47 =	vperm.xlane v7, v0  }
0x69: {  	v56 =	vperm.xlane v9, v1;
	v59 =	vperm.xlane v8, v1;
	v4 =	vadd.f32 v40, v4  }
0x6a: {  	v6 =	vsel vm2, v10, v6;
	v10 =	vadd.f32 v49, v19;
	v7 =	vadd.f32 v47, v7  }
0x6b: {  	v20 =	vperm.xlane v5, v1;
	v57 =	vadd.f32 v53, v13;
	v9 =	vadd.f32 v56, v9  }
0x6c: {  	v52 =	vperm.xlane v6, v1;
	v10 =	vsel vm2, v12, v10;
	v7 =	vsel vm2, v11, v7  }
0x6d: {  	v8 =	vadd.f32 v59, v8;
	v58 =	vperm.xlane v10, v1;
	v55 =	vperm.xlane v7, v1  }
0x6e: {  	v5 =	vadd.f32 v20, v5;
	v6 =	vadd.f32 v52, v6  }
0x6f: {  	v4 =	vsel vm0, v8, v4;
	v10 =	vadd.f32 v58, v10;
	v7 =	vadd.f32 v55, v7  }
0x70: {  	v63 =	vperm.xlane v4, v2;
	v6 =	vsel vm0, v6, v9  }
0x71: {  	v61 =	vperm.xlane v6, v2;
	v5 =	vsel vm0, v5, v10;
	v7 =	vsel vm0, v7, v57  }
0x72: {  	v62 =	vperm.xlane v5, v2;
	v60 =	vperm.xlane v7, v2  }
0x73: {  	v4 =	vadd.f32 v63, v4;
	v6 =	vadd.f32 v61, v6  }
0x74: {  	v5 =	vadd.f32 v62, v5;
	v7 =	vadd.f32 v60, v7;
	_ =	sdelay $0x1  }
0x75: {  	v4 =	vsel vm1, v4, v5;
	v6 =	vsel vm1, v7, v6  }
0x76: {  	v7 =	vperm.xlane v4, v3;
	v5 =	vperm.xlane v6, v3;
	_ =	sdelay $0x1  }
0x77: {  	v5 =	vadd.f32 v5, v6;
	v6 =	vadd.f32 v7, v4;
	v4 =	vmov s21;
	_ =	sdelay $0x2  }
0x78: {  	s25 =	simm.s32 $0x40;
	s26 =	simm.s32 $0x0;
	v5 =	vsel vm3, v6, v5  }
.LBB2_5:
0x79: {  	p0 =	sne.s32 s25, $0x100  }
0x7a: {  	[tilespmem:v4+s26+$0x0 ss:$0x1] =	vst.idx.msk $0xffff, v5;
	s24 =	sadd.s32 $0x800, s24;
	s26 =	smov.u32 s25;
	s25 =	sadd.s32 $0x40, s25  }
0x7b: {  	v5 =	vld [tilespmem:s24+$0xFFFFFE00]  }
0x7c: {  	v6 =	vld [tilespmem:s24+$0x200]  }
0x7d: {  	v7 =	vld [tilespmem:s24+$0xFFFFFD00]  }
0x7e: {  	v8 =	vld [tilespmem:s24+$0x100]  }
0x7f: {  	v9 =	vld [tilespmem:s24+$0xFFFFFC00]  }
0x80: {  	v10 =	vperm.xlane v5, v0;
	v11 =	vld [tilespmem:s24+$0x380]  }
0x81: {  	v12 =	vperm.xlane v6, v0;
	v13 =	vld [tilespmem:s24+$0xFFFFFF80]  }
0x82: {  	v5 =	vadd.f32 v10, v5;
	v10 =	vperm.xlane v7, v0;
	v14 =	vld [tilespmem:s24+$0x180]  }
0x83: {  	v6 =	vadd.f32 v12, v6;
	v12 =	vperm.xlane v8, v0;
	v15 =	vld [tilespmem:s24+$0xFFFFFD80]  }
0x84: {  	v16 =	vperm.xlane v9, v0;
	v7 =	vadd.f32 v10, v7;
	v10 =	vld [tilespmem:s24+$0x280]  }
0x85: {  	v5 =	vsel vm2, v5, v6;
	v6 =	vadd.f32 v12, v8;
	v8 =	vld [tilespmem:s24+$0xFFFFFE80];
	v12 =	vperm.xlane v11, v0  }
0x86: {  	v9 =	vadd.f32 v16, v9;
	v16 =	vperm.xlane v5, v1;
	v17 =	vld [tilespmem:s24+$0x80];
	v18 =	vperm.xlane v13, v0  }
0x87: {  	v6 =	vsel vm2, v7, v6;
	v7 =	vld [tilespmem:s24+$0xFFFFFC80];
	v19 =	vperm.xlane v14, v0;
	v11 =	vadd.f32 v12, v11  }
0x88: {  	v5 =	vadd.f32 v16, v5;
	v12 =	vld [tilespmem:s24+$0x300];
	v16 =	vperm.xlane v6, v1;
	v20 =	vperm.xlane v15, v0  }
0x89: {  	v13 =	vadd.f32 v18, v13;
	v21 =	vld [tilespmem:s24+$0xFFFFFF00];
	v22 =	vperm.xlane v10, v0;
	v14 =	vadd.f32 v19, v14  }
0x8a: {  	v18 =	vld [tilespmem:s24+$0x0];
	v6 =	vadd.f32 v16, v6;
	v16 =	vperm.xlane v8, v0;
	v15 =	vadd.f32 v20, v15  }
0x8b: {  	v11 =	vsel vm2, v13, v11;
	v19 =	vperm.xlane v17, v0;
	v10 =	vadd.f32 v22, v10  }
0x8c: {  	v13 =	vperm.xlane v7, v0;
	v8 =	vadd.f32 v16, v8;
	v14 =	vsel vm2, v15, v14  }
0x8d: {  	v15 =	vperm.xlane v12, v0;
	v16 =	vadd.f32 v19, v17;
	v17 =	vperm.xlane v14, v1  }
0x8e: {  	v19 =	vperm.xlane v21, v0;
	v7 =	vadd.f32 v13, v7;
	v8 =	vsel vm2, v8, v10  }
0x8f: {  	v10 =	vperm.xlane v18, v0;
	v13 =	vperm.xlane v8, v1;
	v14 =	vadd.f32 v17, v14  }
0x90: {  	v12 =	vadd.f32 v15, v12;
	v17 =	vadd.f32 v19, v21;
	v7 =	vsel vm2, v7, v16  }
0x91: {  	v16 =	vperm.xlane v11, v1;
	v10 =	vadd.f32 v10, v18;
	v15 =	vperm.xlane v7, v1  }
0x92: {  	v8 =	vadd.f32 v13, v8;
	v12 =	vsel vm2, v17, v12  }
0x93: {  	v9 =	vsel vm2, v9, v10;
	v10 =	vperm.xlane v12, v1;
	v7 =	vadd.f32 v15, v7  }
0x94: {  	v11 =	vadd.f32 v16, v11;
	v13 =	vperm.xlane v9, v1  }
0x95: {  	v10 =	vadd.f32 v10, v12;
	v7 =	vsel vm0, v7, v8  }
0x96: {  	v8 =	vadd.f32 v13, v9;
	v9 =	vsel vm0, v14, v11;
	v11 =	vperm.xlane v7, v2  }
0x97: {  	v6 =	vsel vm0, v6, v10;
	v10 =	vperm.xlane v9, v2  }
0x98: {  	v5 =	vsel vm0, v8, v5;
	v8 =	vperm.xlane v6, v2;
	v7 =	vadd.f32 v11, v7  }
0x99: {  	v11 =	vperm.xlane v5, v2;
	v9 =	vadd.f32 v10, v9  }
0x9a: {  	v6 =	vadd.f32 v8, v6  }
0x9b: {  	v5 =	vadd.f32 v11, v5;
	v7 =	vsel vm1, v7, v9  }
0x9c: {  	v8 =	vperm.xlane v7, v3  }
0x9d: {  	v5 =	vsel vm1, v5, v6  }
.Ltmp1:
0x9e: {  	v6 =	vperm.xlane v5, v3;
	v7 =	vadd.f32 v8, v7;
	(pc) =	sbr.rel @p0 .LBB2_5-.Ltmp1, $3  }
0x9f: {  	_ = 	snop  }
0xa0: {  	v5 =	vadd.f32 v6, v5;
	_ =	sdelay $0x1  }
0xa1: {  	s26 =	sshra.s32 s26, $0x2;
	v5 =	vsel vm3, v5, v7  }
0xa2: {  	_ =	sdelay $0x3  }
0xa3: {  	[tilespmem:v4+s26+$0x0 ss:$0x1] =	vst.idx.msk $0xffff, v5  }
0xa4: {  	_ =	swait.ge [sflag:s17], $0x2800  }
0xa5: {  	[sflag:s17] =	ssyncset.done $0x0  }
0xa6: {  	[sflag:s17] =	ssyncadd.s32 $0xFFFFD800  }
0xa7: {  	_ =	swait.ge [sflag:s17], $0x2800  }
0xa8: {  	[sflag:s17] =	ssyncset.done $0x0  }
0xa9: {  	s24 =	sadd.s32 $0x100, s23;
	[sflag:s17] =	ssyncadd.s32 $0xFFFFD800  }
0xaa: {  	[tilespmem:s12], [sflag:$0x1] =	stream.indirect.gather [hbm4b:s0+s11], $0x80, s24, s11, $0xb8;
	[tilespmem:$0x16F80] =	vst v63  }
0xab: {  	s31 =	sadd.s32 $0x4100, s23;
	s23 =	simm.s32 $0x0  }
0xac: {  	[tilespmem:s13], [sflag:$0x1] =	stream.indirect.gather [hbm4b:s1+s11], $0x80, s31, s11, $0xb8;
	[tilespmem:$0x16F80] =	vst v63  }
0xad: {  	v4 =	vld [tilespmem:s23+$0xA860]  }
0xae: {  	v6 =	vld [tilespmem:s23+$0xF860]  }
0xaf: {  	v5 =	vld [tilespmem:s23+$0xA840]  }
0xb0: {  	v7 =	vld [tilespmem:s23+$0xF840]  }
0xb1: {  	v8 =	vld [tilespmem:s23+$0xA800]  }
0xb2: {  	v9 =	vld [tilespmem:s23+$0xF800]  }
0xb3: {  	v10 =	vld [tilespmem:s23+$0xA810]  }
0xb4: {  	v12 =	vld [tilespmem:s23+$0xF810]  }
0xb5: {  	v11 =	vld [tilespmem:s23+$0xA820]  }
0xb6: {  	v13 =	vld [tilespmem:s23+$0xF820]  }
0xb7: {  	s24 =	simm.s32 $0x200;
	v14 =	vld [tilespmem:s23+$0xA830]  }
.LBB2_7:
0xb8: {  	p0 =	sne.s32 s24, $0x9E00;
	v15 =	vld [tilespmem:s23+$0xF830]  }
0xb9: {  	v16 =	vld [tilespmem:s23+$0xA850]  }
0xba: {  	v17 =	vld [tilespmem:s23+$0xF850]  }
0xbb: {  	v18 =	vld [tilespmem:s23+$0xA870]  }
0xbc: {  	s25 =	sshra.s32 s24, $0x2;
	v8 =	vmul.f32 v9, v8;
	v9 =	vmul.f32 v12, v10;
	v10 =	vld [tilespmem:s23+$0xF870]  }
0xbd: {  	v11 =	vmul.f32 v13, v11;
	v12 =	vld [tilespmem:s25+$0xA860];
	v13 =	vmul.f32 v15, v14  }
0xbe: {  	v15 =	vmul.f32 v7, v5;
	v14 =	vld [tilespmem:s25+$0xF860]  }
0xbf: {  	v11 =	vadd.f32 v11, v8;
	v5 =	vld [tilespmem:s25+$0xA840];
	v9 =	vadd.f32 v13, v9;
	v13 =	vmul.f32 v17, v16  }
0xc0: {  	v17 =	vmul.f32 v6, v4;
	v7 =	vld [tilespmem:s25+$0xF840]  }
0xc1: {  	v11 =	vadd.f32 v15, v11;
	v8 =	vld [tilespmem:s25+$0xA800];
	v13 =	vadd.f32 v13, v9;
	v15 =	vmul.f32 v10, v18  }
0xc2: {  	v9 =	vld [tilespmem:s25+$0xF800];
	v4 =	vmov v12  }
.Ltmp2:
0xc3: {  	v16 =	vadd.f32 v17, v11;
	v10 =	vld [tilespmem:s25+$0xA810];
	v13 =	vadd.f32 v15, v13;
	v6 =	vmov v14;
	(pc) =	sbr.rel @p0 .LBB2_7-.Ltmp2, $4  }
0xc4: {  	v12 =	vld [tilespmem:s25+$0xF810]  }
0xc5: {  	v11 =	vld [tilespmem:s25+$0xA820];
	v15 =	vadd.f32 v13, v16  }
0xc6: {  	v13 =	vld [tilespmem:s25+$0xF820]  }
0xc7: {  	s24 =	sadd.s32 $0x200, s24;
	v14 =	vld [tilespmem:s25+$0xA830];
	[tilespmem:s23+$0x14780] =	vst v15;
	s23 =	smov.u32 s25  }
0xc8: {  	v15 =	vld [tilespmem:s23+$0xF830]  }
0xc9: {  	v16 =	vld [tilespmem:s23+$0xA850]  }
0xca: {  	v17 =	vld [tilespmem:s23+$0xF850]  }
0xcb: {  	v18 =	vld [tilespmem:s23+$0xA870]  }
0xcc: {  	v8 =	vmul.f32 v9, v8;
	v23 =	vld [tilespmem:s23+$0xF870];
	v22 =	vmul.f32 v12, v10  }
0xcd: {  	v11 =	vmul.f32 v13, v11;
	v24 =	vmul.f32 v15, v14  }
0xce: {  	v5 =	vmul.f32 v7, v5  }
0xcf: {  	v7 =	vadd.f32 v11, v8;
	v26 =	vmul.f32 v17, v16;
	v25 =	vadd.f32 v24, v22  }
0xd0: {  	v4 =	vmul.f32 v6, v4  }
0xd1: {  	v5 =	vadd.f32 v5, v7;
	v7 =	vmul.f32 v23, v18;
	v6 =	vadd.f32 v26, v25;
	_ =	sdelay $0x1  }
0xd2: {  	v4 =	vadd.f32 v4, v5;
	v5 =	vadd.f32 v7, v6;
	_ =	sdelay $0x1  }
0xd3: {  	v4 =	vadd.f32 v5, v4;
	_ =	sdelay $0x1  }
0xd4: {  	[tilespmem:s23+$0x14780] =	vst v4;
	s23 =	simm.s32 $0x14B80  }
0xd5: {  	v4 =	vld [tilespmem:s23+$0xFFFFFE00]  }
0xd6: {  	v5 =	vld [tilespmem:s23+$0x200]  }
0xd7: {  	v6 =	vld [tilespmem:s23+$0xFFFFFD00]  }
0xd8: {  	v7 =	vld [tilespmem:s23+$0x100]  }
0xd9: {  	v27 =	vld [tilespmem:s23+$0xFFFFFC00]  }
0xda: {  	v28 =	vld [tilespmem:s23+$0x380]  }
0xdb: {  	v30 =	vld [tilespmem:s23+$0xFFFFFF80]  }
0xdc: {  	v33 =	vld [tilespmem:s23+$0xFFFFFD80]  }
0xdd: {  	v36 =	vld [tilespmem:s23+$0x280]  }
0xde: {  	v38 =	vld [tilespmem:s23+$0xFFFFFE80]  }
0xdf: {  	v41 =	vld [tilespmem:s23+$0xFFFFFC80];
	v29 =	vperm.xlane v4, v0;
	v31 =	vperm.xlane v5, v0  }
0xe0: {  	v44 =	vld [tilespmem:s23+$0xFFFFFF00];
	v34 =	vperm.xlane v6, v0;
	v35 =	vperm.xlane v7, v0  }
0xe1: {  	v45 =	vld [tilespmem:s23+$0x0];
	v37 =	vperm.xlane v27, v0;
	v39 =	vperm.xlane v28, v0  }
0xe2: {  	v42 =	vperm.xlane v30, v0;
	v43 =	vperm.xlane v33, v0  }
0xe3: {  	v19 =	vld [tilespmem:s23+$0x300];
	v21 =	vperm.xlane v36, v0;
	v46 =	vperm.xlane v38, v0  }
0xe4: {  	v48 =	vperm.xlane v41, v0;
	v4 =	vadd.f32 v29, v4;
	v5 =	vadd.f32 v31, v5  }
0xe5: {  	v32 =	vld [tilespmem:s23+$0x180];
	v50 =	vperm.xlane v44, v0;
	v6 =	vadd.f32 v34, v6;
	v8 =	vadd.f32 v37, v27  }
0xe6: {  	v51 =	vperm.xlane v45, v0;
	v9 =	vadd.f32 v39, v28;
	v11 =	vadd.f32 v42, v30  }
0xe7: {  	v10 =	vadd.f32 v43, v33;
	v4 =	vsel vm2, v4, v5;
	v5 =	vadd.f32 v35, v7;
	v7 =	vld [tilespmem:s23+$0x80]  }
0xe8: {  	v49 =	vperm.xlane v19, v0;
	v15 =	vadd.f32 v21, v36;
	v13 =	vadd.f32 v46, v38  }
0xe9: {  	v12 =	vadd.f32 v50, v44;
	v54 =	vadd.f32 v51, v45;
	v9 =	vsel vm2, v11, v9  }
0xea: {  	v11 =	vadd.f32 v48, v41;
	v5 =	vsel vm2, v6, v5;
	v6 =	vperm.xlane v32, v0  }
0xeb: {  	v13 =	vsel vm2, v13, v15;
	v8 =	vsel vm2, v8, v54;
	v40 =	vperm.xlane v4, v1  }
0xec: {  	v53 =	vperm.xlane v13, v1;
	v6 =	vadd.f32 v6, v32;
	v47 =	vperm.xlane v7, v0  }
0xed: {  	v56 =	vperm.xlane v9, v1;
	v59 =	vperm.xlane v8, v1;
	v4 =	vadd.f32 v40, v4  }
0xee: {  	v6 =	vsel vm2, v10, v6;
	v10 =	vadd.f32 v49, v19;
	v7 =	vadd.f32 v47, v7  }
0xef: {  	v20 =	vperm.xlane v5, v1;
	v57 =	vadd.f32 v53, v13;
	v9 =	vadd.f32 v56, v9  }
0xf0: {  	v52 =	vperm.xlane v6, v1;
	v10 =	vsel vm2, v12, v10;
	v7 =	vsel vm2, v11, v7  }
0xf1: {  	v8 =	vadd.f32 v59, v8;
	v58 =	vperm.xlane v10, v1;
	v55 =	vperm.xlane v7, v1  }
0xf2: {  	v5 =	vadd.f32 v20, v5;
	v6 =	vadd.f32 v52, v6  }
0xf3: {  	v4 =	vsel vm0, v8, v4;
	v10 =	vadd.f32 v58, v10;
	v7 =	vadd.f32 v55, v7  }
0xf4: {  	v63 =	vperm.xlane v4, v2;
	v6 =	vsel vm0, v6, v9  }
0xf5: {  	v61 =	vperm.xlane v6, v2;
	v5 =	vsel vm0, v5, v10;
	v7 =	vsel vm0, v7, v57  }
0xf6: {  	v62 =	vperm.xlane v5, v2;
	v60 =	vperm.xlane v7, v2  }
0xf7: {  	v4 =	vadd.f32 v63, v4;
	v6 =	vadd.f32 v61, v6  }
0xf8: {  	v5 =	vadd.f32 v62, v5;
	v7 =	vadd.f32 v60, v7;
	_ =	sdelay $0x1  }
0xf9: {  	v4 =	vsel vm1, v4, v5;
	v6 =	vsel vm1, v7, v6  }
0xfa: {  	v7 =	vperm.xlane v4, v3;
	v5 =	vperm.xlane v6, v3;
	_ =	sdelay $0x1  }
0xfb: {  	v5 =	vadd.f32 v5, v6;
	v6 =	vadd.f32 v7, v4;
	v4 =	vmov s20;
	_ =	sdelay $0x2  }
0xfc: {  	s24 =	simm.s32 $0x40;
	s25 =	simm.s32 $0x0;
	v5 =	vsel vm3, v6, v5  }
.LBB2_9:
0xfd: {  	p0 =	sne.s32 s24, $0x100  }
0xfe: {  	[tilespmem:v4+s25+$0x0 ss:$0x1] =	vst.idx.msk $0xffff, v5;
	s23 =	sadd.s32 $0x800, s23;
	s25 =	smov.u32 s24;
	s24 =	sadd.s32 $0x40, s24  }
0xff: {  	v5 =	vld [tilespmem:s23+$0xFFFFFE00]  }
0x100: {  	v6 =	vld [tilespmem:s23+$0x200]  }
0x101: {  	v7 =	vld [tilespmem:s23+$0xFFFFFD00]  }
0x102: {  	v8 =	vld [tilespmem:s23+$0x100]  }
0x103: {  	v9 =	vld [tilespmem:s23+$0xFFFFFC00]  }
0x104: {  	v10 =	vperm.xlane v5, v0;
	v11 =	vld [tilespmem:s23+$0x380]  }
0x105: {  	v12 =	vperm.xlane v6, v0;
	v13 =	vld [tilespmem:s23+$0xFFFFFF80]  }
0x106: {  	v5 =	vadd.f32 v10, v5;
	v10 =	vperm.xlane v7, v0;
	v14 =	vld [tilespmem:s23+$0x180]  }
0x107: {  	v6 =	vadd.f32 v12, v6;
	v12 =	vperm.xlane v8, v0;
	v15 =	vld [tilespmem:s23+$0xFFFFFD80]  }
0x108: {  	v16 =	vperm.xlane v9, v0;
	v7 =	vadd.f32 v10, v7;
	v10 =	vld [tilespmem:s23+$0x280]  }
0x109: {  	v5 =	vsel vm2, v5, v6;
	v6 =	vadd.f32 v12, v8;
	v8 =	vld [tilespmem:s23+$0xFFFFFE80];
	v12 =	vperm.xlane v11, v0  }
0x10a: {  	v9 =	vadd.f32 v16, v9;
	v16 =	vperm.xlane v5, v1;
	v17 =	vld [tilespmem:s23+$0x80];
	v18 =	vperm.xlane v13, v0  }
0x10b: {  	v6 =	vsel vm2, v7, v6;
	v7 =	vld [tilespmem:s23+$0xFFFFFC80];
	v19 =	vperm.xlane v14, v0;
	v11 =	vadd.f32 v12, v11  }
0x10c: {  	v5 =	vadd.f32 v16, v5;
	v12 =	vld [tilespmem:s23+$0x300];
	v16 =	vperm.xlane v6, v1;
	v20 =	vperm.xlane v15, v0  }
0x10d: {  	v13 =	vadd.f32 v18, v13;
	v21 =	vld [tilespmem:s23+$0xFFFFFF00];
	v22 =	vperm.xlane v10, v0;
	v14 =	vadd.f32 v19, v14  }
0x10e: {  	v18 =	vld [tilespmem:s23+$0x0];
	v6 =	vadd.f32 v16, v6;
	v16 =	vperm.xlane v8, v0;
	v15 =	vadd.f32 v20, v15  }
0x10f: {  	v11 =	vsel vm2, v13, v11;
	v19 =	vperm.xlane v17, v0;
	v10 =	vadd.f32 v22, v10  }
0x110: {  	v13 =	vperm.xlane v7, v0;
	v8 =	vadd.f32 v16, v8;
	v14 =	vsel vm2, v15, v14  }
0x111: {  	v15 =	vperm.xlane v12, v0;
	v16 =	vadd.f32 v19, v17;
	v17 =	vperm.xlane v14, v1  }
0x112: {  	v19 =	vperm.xlane v21, v0;
	v7 =	vadd.f32 v13, v7;
	v8 =	vsel vm2, v8, v10  }
0x113: {  	v10 =	vperm.xlane v18, v0;
	v13 =	vperm.xlane v8, v1;
	v14 =	vadd.f32 v17, v14  }
0x114: {  	v12 =	vadd.f32 v15, v12;
	v17 =	vadd.f32 v19, v21;
	v7 =	vsel vm2, v7, v16  }
0x115: {  	v16 =	vperm.xlane v11, v1;
	v10 =	vadd.f32 v10, v18;
	v15 =	vperm.xlane v7, v1  }
0x116: {  	v8 =	vadd.f32 v13, v8;
	v12 =	vsel vm2, v17, v12  }
0x117: {  	v9 =	vsel vm2, v9, v10;
	v10 =	vperm.xlane v12, v1;
	v7 =	vadd.f32 v15, v7  }
0x118: {  	v11 =	vadd.f32 v16, v11;
	v13 =	vperm.xlane v9, v1  }
0x119: {  	v10 =	vadd.f32 v10, v12;
	v7 =	vsel vm0, v7, v8  }
0x11a: {  	v8 =	vadd.f32 v13, v9;
	v9 =	vsel vm0, v14, v11;
	v11 =	vperm.xlane v7, v2  }
0x11b: {  	v6 =	vsel vm0, v6, v10;
	v10 =	vperm.xlane v9, v2  }
0x11c: {  	v5 =	vsel vm0, v8, v5;
	v8 =	vperm.xlane v6, v2;
	v7 =	vadd.f32 v11, v7  }
0x11d: {  	v11 =	vperm.xlane v5, v2;
	v9 =	vadd.f32 v10, v9  }
0x11e: {  	v6 =	vadd.f32 v8, v6  }
0x11f: {  	v5 =	vadd.f32 v11, v5;
	v7 =	vsel vm1, v7, v9  }
0x120: {  	v8 =	vperm.xlane v7, v3  }
0x121: {  	v5 =	vsel vm1, v5, v6  }
.Ltmp3:
0x122: {  	v6 =	vperm.xlane v5, v3;
	v7 =	vadd.f32 v8, v7;
	(pc) =	sbr.rel @p0 .LBB2_9-.Ltmp3, $3  }
0x123: {  	_ = 	snop  }
0x124: {  	v5 =	vadd.f32 v6, v5;
	_ =	sdelay $0x1  }
0x125: {  	s25 =	sshra.s32 s25, $0x2;
	v5 =	vsel vm3, v5, v7  }
0x126: {  	s22 =	sadd.s32 $0x1, s22  }
0x127: {  	p0 =	sne.s32 s22, $0x3E  }
.Ltmp4:
0x128: {  	_ = 	snop;
	(pc) =	sbr.rel @p0 .LBB2_2-.Ltmp4, $2  }
0x129: {  	_ =	sdelay $0x2  }
0x12a: {  	[tilespmem:v4+s25+$0x0 ss:$0x1] =	vst.idx.msk $0xffff, v5;
	s21 =	sadd.s32 $0xA0, s21;
	s20 =	sadd.s32 $0xA0, s20  }
0x12b: {  	_ =	swait.ge [sflag:s14], $0x2800  }
0x12c: {  	[sflag:s14] =	ssyncset.done $0x0  }
0x12d: {  	[sflag:s14] =	ssyncadd.s32 $0xFFFFD800  }
0x12e: {  	_ =	swait.ge [sflag:s14], $0x2800  }
0x12f: {  	[sflag:s14] =	ssyncset.done $0x0  }
0x130: {  	s20 =	simm.s32 $0x0;
	[sflag:s14] =	ssyncadd.s32 $0xFFFFD800  }
0x131: {  	v4 =	vld [tilespmem:s20+$0x8060]  }
0x132: {  	v6 =	vld [tilespmem:s20+$0xD060]  }
0x133: {  	v5 =	vld [tilespmem:s20+$0x8040]  }
0x134: {  	v7 =	vld [tilespmem:s20+$0xD040]  }
0x135: {  	v8 =	vld [tilespmem:s20+$0x8000]  }
0x136: {  	v9 =	vld [tilespmem:s20+$0xD000]  }
0x137: {  	v10 =	vld [tilespmem:s20+$0x8010]  }
0x138: {  	v12 =	vld [tilespmem:s20+$0xD010]  }
0x139: {  	v11 =	vld [tilespmem:s20+$0x8020]  }
0x13a: {  	v13 =	vld [tilespmem:s20+$0xD020]  }
0x13b: {  	s21 =	simm.s32 $0x200;
	v14 =	vld [tilespmem:s20+$0x8030]  }
.LBB2_12:
0x13c: {  	p0 =	sne.s32 s21, $0x9E00;
	v15 =	vld [tilespmem:s20+$0xD030]  }
0x13d: {  	v16 =	vld [tilespmem:s20+$0x8050]  }
0x13e: {  	v17 =	vld [tilespmem:s20+$0xD050]  }
0x13f: {  	v18 =	vld [tilespmem:s20+$0x8070]  }
0x140: {  	s22 =	sshra.s32 s21, $0x2;
	v8 =	vmul.f32 v9, v8;
	v9 =	vmul.f32 v12, v10;
	v10 =	vld [tilespmem:s20+$0xD070]  }
0x141: {  	v11 =	vmul.f32 v13, v11;
	v12 =	vld [tilespmem:s22+$0x8060];
	v13 =	vmul.f32 v15, v14  }
0x142: {  	v15 =	vmul.f32 v7, v5;
	v14 =	vld [tilespmem:s22+$0xD060]  }
0x143: {  	v11 =	vadd.f32 v11, v8;
	v5 =	vld [tilespmem:s22+$0x8040];
	v9 =	vadd.f32 v13, v9;
	v13 =	vmul.f32 v17, v16  }
0x144: {  	v17 =	vmul.f32 v6, v4;
	v7 =	vld [tilespmem:s22+$0xD040]  }
0x145: {  	v11 =	vadd.f32 v15, v11;
	v8 =	vld [tilespmem:s22+$0x8000];
	v13 =	vadd.f32 v13, v9;
	v15 =	vmul.f32 v10, v18  }
0x146: {  	v9 =	vld [tilespmem:s22+$0xD000];
	v4 =	vmov v12  }
.Ltmp5:
0x147: {  	v16 =	vadd.f32 v17, v11;
	v10 =	vld [tilespmem:s22+$0x8010];
	v13 =	vadd.f32 v15, v13;
	v6 =	vmov v14;
	(pc) =	sbr.rel @p0 .LBB2_12-.Ltmp5, $4  }
0x148: {  	v12 =	vld [tilespmem:s22+$0xD010]  }
0x149: {  	v11 =	vld [tilespmem:s22+$0x8020];
	v15 =	vadd.f32 v13, v16  }
0x14a: {  	v13 =	vld [tilespmem:s22+$0xD020]  }
0x14b: {  	s21 =	sadd.s32 $0x200, s21;
	v14 =	vld [tilespmem:s22+$0x8030];
	[tilespmem:s20+$0x14780] =	vst v15;
	s20 =	smov.u32 s22  }
0x14c: {  	v15 =	vld [tilespmem:s20+$0xD030]  }
0x14d: {  	v16 =	vld [tilespmem:s20+$0x8050]  }
0x14e: {  	v17 =	vld [tilespmem:s20+$0xD050]  }
0x14f: {  	v18 =	vld [tilespmem:s20+$0x8070]  }
0x150: {  	v8 =	vmul.f32 v9, v8;
	v23 =	vld [tilespmem:s20+$0xD070];
	v22 =	vmul.f32 v12, v10  }
0x151: {  	v11 =	vmul.f32 v13, v11;
	v24 =	vmul.f32 v15, v14  }
0x152: {  	v5 =	vmul.f32 v7, v5  }
0x153: {  	v7 =	vadd.f32 v11, v8;
	v26 =	vmul.f32 v17, v16;
	v25 =	vadd.f32 v24, v22  }
0x154: {  	v4 =	vmul.f32 v6, v4  }
0x155: {  	v5 =	vadd.f32 v5, v7;
	v7 =	vmul.f32 v23, v18;
	v6 =	vadd.f32 v26, v25;
	_ =	sdelay $0x1  }
0x156: {  	v4 =	vadd.f32 v4, v5;
	v5 =	vadd.f32 v7, v6;
	_ =	sdelay $0x1  }
0x157: {  	v4 =	vadd.f32 v5, v4;
	_ =	sdelay $0x1  }
0x158: {  	[tilespmem:s20+$0x14780] =	vst v4;
	s20 =	simm.s32 $0x14B80  }
0x159: {  	v4 =	vld [tilespmem:s20+$0xFFFFFE00]  }
0x15a: {  	v5 =	vld [tilespmem:s20+$0x200]  }
0x15b: {  	v6 =	vld [tilespmem:s20+$0xFFFFFD00]  }
0x15c: {  	v7 =	vld [tilespmem:s20+$0x100]  }
0x15d: {  	v27 =	vld [tilespmem:s20+$0xFFFFFC00]  }
0x15e: {  	v28 =	vld [tilespmem:s20+$0x380]  }
0x15f: {  	v30 =	vld [tilespmem:s20+$0xFFFFFF80]  }
0x160: {  	v33 =	vld [tilespmem:s20+$0xFFFFFD80]  }
0x161: {  	v36 =	vld [tilespmem:s20+$0x280]  }
0x162: {  	v38 =	vld [tilespmem:s20+$0xFFFFFE80]  }
0x163: {  	v41 =	vld [tilespmem:s20+$0xFFFFFC80];
	v29 =	vperm.xlane v4, v0;
	v31 =	vperm.xlane v5, v0  }
0x164: {  	v44 =	vld [tilespmem:s20+$0xFFFFFF00];
	v34 =	vperm.xlane v6, v0;
	v35 =	vperm.xlane v7, v0  }
0x165: {  	v45 =	vld [tilespmem:s20+$0x0];
	v37 =	vperm.xlane v27, v0;
	v39 =	vperm.xlane v28, v0  }
0x166: {  	v42 =	vperm.xlane v30, v0;
	v43 =	vperm.xlane v33, v0  }
0x167: {  	v19 =	vld [tilespmem:s20+$0x300];
	v21 =	vperm.xlane v36, v0;
	v46 =	vperm.xlane v38, v0  }
0x168: {  	v48 =	vperm.xlane v41, v0;
	v4 =	vadd.f32 v29, v4;
	v5 =	vadd.f32 v31, v5  }
0x169: {  	v32 =	vld [tilespmem:s20+$0x180];
	v50 =	vperm.xlane v44, v0;
	v6 =	vadd.f32 v34, v6;
	v8 =	vadd.f32 v37, v27  }
0x16a: {  	v51 =	vperm.xlane v45, v0;
	v9 =	vadd.f32 v39, v28;
	v11 =	vadd.f32 v42, v30  }
0x16b: {  	v10 =	vadd.f32 v43, v33;
	v4 =	vsel vm2, v4, v5;
	v5 =	vadd.f32 v35, v7;
	v7 =	vld [tilespmem:s20+$0x80]  }
0x16c: {  	v49 =	vperm.xlane v19, v0;
	v15 =	vadd.f32 v21, v36;
	v13 =	vadd.f32 v46, v38  }
0x16d: {  	v12 =	vadd.f32 v50, v44;
	v54 =	vadd.f32 v51, v45;
	v9 =	vsel vm2, v11, v9  }
0x16e: {  	v11 =	vadd.f32 v48, v41;
	v5 =	vsel vm2, v6, v5;
	v6 =	vperm.xlane v32, v0  }
0x16f: {  	v13 =	vsel vm2, v13, v15;
	v8 =	vsel vm2, v8, v54;
	v40 =	vperm.xlane v4, v1  }
0x170: {  	v53 =	vperm.xlane v13, v1;
	v6 =	vadd.f32 v6, v32;
	v47 =	vperm.xlane v7, v0  }
0x171: {  	v56 =	vperm.xlane v9, v1;
	v59 =	vperm.xlane v8, v1;
	v4 =	vadd.f32 v40, v4  }
0x172: {  	v6 =	vsel vm2, v10, v6;
	v10 =	vadd.f32 v49, v19;
	v7 =	vadd.f32 v47, v7  }
0x173: {  	v20 =	vperm.xlane v5, v1;
	v57 =	vadd.f32 v53, v13;
	v9 =	vadd.f32 v56, v9  }
0x174: {  	v52 =	vperm.xlane v6, v1;
	v10 =	vsel vm2, v12, v10;
	v7 =	vsel vm2, v11, v7  }
0x175: {  	v8 =	vadd.f32 v59, v8;
	v58 =	vperm.xlane v10, v1;
	v55 =	vperm.xlane v7, v1  }
0x176: {  	v5 =	vadd.f32 v20, v5;
	v6 =	vadd.f32 v52, v6  }
0x177: {  	v4 =	vsel vm0, v8, v4;
	v10 =	vadd.f32 v58, v10;
	v7 =	vadd.f32 v55, v7  }
0x178: {  	v63 =	vperm.xlane v4, v2;
	v6 =	vsel vm0, v6, v9  }
0x179: {  	v61 =	vperm.xlane v6, v2;
	v5 =	vsel vm0, v5, v10;
	v7 =	vsel vm0, v7, v57  }
0x17a: {  	v62 =	vperm.xlane v5, v2;
	v60 =	vperm.xlane v7, v2  }
0x17b: {  	v4 =	vadd.f32 v63, v4;
	v6 =	vadd.f32 v61, v6  }
0x17c: {  	v5 =	vadd.f32 v62, v5;
	v7 =	vadd.f32 v60, v7;
	_ =	sdelay $0x1  }
0x17d: {  	v4 =	vsel vm1, v4, v5;
	v6 =	vsel vm1, v7, v6  }
0x17e: {  	v7 =	vperm.xlane v4, v3;
	v5 =	vperm.xlane v6, v3;
	_ =	sdelay $0x1  }
0x17f: {  	v4 =	vadd.f32 v7, v4;
	v5 =	vadd.f32 v5, v6;
	_ =	sdelay $0x1  }
0x180: {  	s21 =	simm.s32 $0x40;
	s22 =	simm.s32 $0x0;
	v4 =	vsel vm3, v4, v5  }
.LBB2_14:
0x181: {  	p0 =	sne.s32 s21, $0x100  }
0x182: {  	[tilespmem:s22+$0x146C0] =	vst v4;
	s20 =	sadd.s32 $0x800, s20;
	s22 =	smov.u32 s21;
	s21 =	sadd.s32 $0x40, s21  }
0x183: {  	v4 =	vld [tilespmem:s20+$0xFFFFFE00]  }
0x184: {  	v5 =	vld [tilespmem:s20+$0x200]  }
0x185: {  	v6 =	vld [tilespmem:s20+$0xFFFFFD00]  }
0x186: {  	v7 =	vld [tilespmem:s20+$0x100]  }
0x187: {  	v8 =	vld [tilespmem:s20+$0xFFFFFC00]  }
0x188: {  	v9 =	vperm.xlane v4, v0;
	v10 =	vld [tilespmem:s20+$0x380]  }
0x189: {  	v11 =	vperm.xlane v5, v0;
	v12 =	vld [tilespmem:s20+$0xFFFFFF80]  }
0x18a: {  	v4 =	vadd.f32 v9, v4;
	v9 =	vperm.xlane v6, v0;
	v13 =	vld [tilespmem:s20+$0x180]  }
0x18b: {  	v5 =	vadd.f32 v11, v5;
	v11 =	vperm.xlane v7, v0;
	v14 =	vld [tilespmem:s20+$0xFFFFFD80]  }
0x18c: {  	v15 =	vperm.xlane v8, v0;
	v6 =	vadd.f32 v9, v6;
	v9 =	vld [tilespmem:s20+$0x280]  }
0x18d: {  	v4 =	vsel vm2, v4, v5;
	v5 =	vadd.f32 v11, v7;
	v7 =	vld [tilespmem:s20+$0xFFFFFE80];
	v11 =	vperm.xlane v10, v0  }
0x18e: {  	v8 =	vadd.f32 v15, v8;
	v15 =	vperm.xlane v4, v1;
	v16 =	vld [tilespmem:s20+$0x80];
	v17 =	vperm.xlane v12, v0  }
0x18f: {  	v5 =	vsel vm2, v6, v5;
	v6 =	vld [tilespmem:s20+$0xFFFFFC80];
	v18 =	vperm.xlane v13, v0;
	v10 =	vadd.f32 v11, v10  }
0x190: {  	v4 =	vadd.f32 v15, v4;
	v11 =	vld [tilespmem:s20+$0x300];
	v15 =	vperm.xlane v5, v1;
	v19 =	vperm.xlane v14, v0  }
0x191: {  	v12 =	vadd.f32 v17, v12;
	v20 =	vld [tilespmem:s20+$0xFFFFFF00];
	v21 =	vperm.xlane v9, v0;
	v13 =	vadd.f32 v18, v13  }
0x192: {  	v17 =	vld [tilespmem:s20+$0x0];
	v5 =	vadd.f32 v15, v5;
	v15 =	vperm.xlane v7, v0;
	v14 =	vadd.f32 v19, v14  }
0x193: {  	v10 =	vsel vm2, v12, v10;
	v18 =	vperm.xlane v16, v0;
	v9 =	vadd.f32 v21, v9  }
0x194: {  	v12 =	vperm.xlane v6, v0;
	v7 =	vadd.f32 v15, v7;
	v13 =	vsel vm2, v14, v13  }
0x195: {  	v14 =	vperm.xlane v11, v0;
	v15 =	vadd.f32 v18, v16;
	v16 =	vperm.xlane v13, v1  }
0x196: {  	v18 =	vperm.xlane v20, v0;
	v6 =	vadd.f32 v12, v6;
	v7 =	vsel vm2, v7, v9  }
0x197: {  	v9 =	vperm.xlane v17, v0;
	v12 =	vperm.xlane v7, v1;
	v13 =	vadd.f32 v16, v13  }
0x198: {  	v11 =	vadd.f32 v14, v11;
	v16 =	vadd.f32 v18, v20;
	v6 =	vsel vm2, v6, v15  }
0x199: {  	v15 =	vperm.xlane v10, v1;
	v9 =	vadd.f32 v9, v17;
	v14 =	vperm.xlane v6, v1  }
0x19a: {  	v7 =	vadd.f32 v12, v7;
	v11 =	vsel vm2, v16, v11  }
0x19b: {  	v8 =	vsel vm2, v8, v9;
	v9 =	vperm.xlane v11, v1;
	v6 =	vadd.f32 v14, v6  }
0x19c: {  	v10 =	vadd.f32 v15, v10;
	v12 =	vperm.xlane v8, v1  }
0x19d: {  	v9 =	vadd.f32 v9, v11;
	v6 =	vsel vm0, v6, v7  }
0x19e: {  	v7 =	vadd.f32 v12, v8;
	v8 =	vsel vm0, v13, v10;
	v10 =	vperm.xlane v6, v2  }
0x19f: {  	v5 =	vsel vm0, v5, v9;
	v9 =	vperm.xlane v8, v2  }
0x1a0: {  	v4 =	vsel vm0, v7, v4;
	v7 =	vperm.xlane v5, v2;
	v6 =	vadd.f32 v10, v6  }
0x1a1: {  	v10 =	vperm.xlane v4, v2;
	v8 =	vadd.f32 v9, v8  }
0x1a2: {  	v5 =	vadd.f32 v7, v5  }
0x1a3: {  	v4 =	vadd.f32 v10, v4;
	v6 =	vsel vm1, v6, v8  }
0x1a4: {  	v7 =	vperm.xlane v6, v3  }
0x1a5: {  	v4 =	vsel vm1, v4, v5  }
.Ltmp6:
0x1a6: {  	v5 =	vperm.xlane v4, v3;
	v6 =	vadd.f32 v7, v6;
	(pc) =	sbr.rel @p0 .LBB2_14-.Ltmp6, $3  }
0x1a7: {  	_ = 	snop  }
0x1a8: {  	v4 =	vadd.f32 v5, v4;
	_ =	sdelay $0x1  }
0x1a9: {  	s22 =	sshra.s32 s22, $0x2;
	v4 =	vsel vm3, v4, v6  }
0x1aa: {  	s19 =	sadd.s32 $0x1, s19  }
0x1ab: {  	p0 =	sne.s32 s19, s8  }
.Ltmp7:
0x1ac: {  	[tilespmem:s22+$0x146C0] =	vst v4;
	(pc) =	sbr.rel @p0 .LBB2_1-.Ltmp7, $4  }
0x1ad: {  	[hbm4b:s7+s4] =	stream.linear.scatter [tilespmem:s18], [sflag:$0x3], $0x2710, $0x38;
	[tilespmem:$0x16F80] =	vst v63  }
0x1ae: {  	_ =	swait.ge [sflag:s9], $0x2710  }
0x1af: {  	[sflag:s9] =	ssyncset.done $0x0  }
0x1b0: {  	[sflag:s9] =	ssyncadd.s32 $0xFFFFD8F0  }
0x1b1: {  	_ =	sfence.sel $0x180000  }
0x1b2: {  	[bflag:$0x0] =	sbarrier.arrive $0xFFFF  }
0x1b3: {  	p0 =	sne.s32 s3, $0x0;
	_ =	strace $0x90000047  }
0x1b4: {  	s0 =	sadd.s32 @!p0 $0x100000, s2;
	[bflag:$0x2] =	sbarrier.arrive $0xFFFF  }
0x1b5: {  	[sflag:s0] =	ssyncadd.tile.s32 @!p0 $0x1;
	_ =	shalt  }
.Lfunc_end2:
_tile_overlayer_lowered:
.L_overlay_start_2:
0x1b6: {  	(tag) =	ssettag $0x2  }
0x1b7: {  	s0 =	rddreg [dreg:$0x0];
	s2 =	stileid.u32  }
0x1b8: {  	s1 =	rddreg [dreg:$0x1];
	p0 =	sne.s32 s2, $0x0  }
0x1b9: {  	s3 =	rddreg [dreg:$0x2];
	[bflag:$0x3] =	sbarrier.arrive $0xFFFF;
	s2 =	simm.s32 @!p0 $0x1C03  }
0x1ba: {  	[timem:s3], [sflag:s2] =	dma.local @!p0 [hbm:s0], s1  }
0x1bb: {  	s0 =	simm.s32 @!p0 $0x3  }
0x1bc: {  	_ =	swait.ge @!p0 [sflag:s0], s1  }
0x1bd: {  	s1 =	ssub.s32 @!p0 $0x0, s1;
	[sflag:s0] =	ssyncset.done @!p0 $0x0  }
0x1be: {  	[sflag:s0] =	ssyncadd.s32 @!p0 s1  }
0x1bf: {  	[bflag:$0x3] =	sbarrier.arrive $0xFFFF  }
0x1c0: {  	_ =	shalt  }

</sc_bundles>
